<compile_context>
chip_gen: v7x
topology: tpu7x:2x2x1
jax: 0.10.2.dev20260603
libtpu: 0.0.44.dev20260713+nightly
codegen_flags: <defaults>
</compile_context>

<pallas_src>
import jax
import jax.numpy as jnp
from jax import lax
from jax.experimental import pallas as pl
from jax.experimental.pallas import tpu as pltpu
from jax.experimental.pallas import tpu_sc as plsc

D = 64
B = 16384
L = 16
NC, NS = 2, 16
NW = NC * NS
BPW = B // NW
CHUNK = 128
NCHUNK = BPW // CHUNK
CBLK = 32768


def _score_body(w_ref, t_ref, o_ref):
    x = t_ref[...]
    w = w_ref[...]
    y = jnp.sum(x * w, axis=0)
    o_ref[...] = y.reshape(CBLK // 128, 128)


def _scores(table_t, w_col):
    n = table_t.shape[1]
    grid = (n + CBLK - 1) // CBLK
    return pl.pallas_call(
        _score_body,
        grid=(grid,),
        in_specs=[
            pl.BlockSpec((D, 1), lambda i: (0, 0)),
            pl.BlockSpec((D, CBLK), lambda i: (0, i)),
        ],
        out_specs=pl.BlockSpec((CBLK // 128, 128), lambda i: (i, 0)),
        out_shape=jax.ShapeDtypeStruct((grid * (CBLK // 128), 128),
                                       jnp.float32),
    )(w_col, table_t)


def _lookup_body(user_idx, cat_idx, su, sc, b_vec, out_hbm,
                 uidx_v, cidx_v, pu_v, pc_v, su_buf, sc_buf, out_v, b_v,
                 sem_u, sem_c):
    wid = lax.axis_index("s") * NC + lax.axis_index("c")
    base = wid * BPW

    pltpu.sync_copy(user_idx.at[pl.ds(base, BPW)], uidx_v)
    pltpu.sync_copy(cat_idx.at[pl.ds(base, BPW)], cidx_v)
    pltpu.sync_copy(b_vec, b_v)

    def prep_body(g, carry):
        gb = g * L
        uv = uidx_v[pl.ds(gb, L)]
        cv = cidx_v[pl.ds(gb, L)]
        pu_v[pl.ds(gb, L)] = lax.shift_right_logical(uv, 7)
        pc_v[pl.ds(gb, L)] = lax.shift_right_logical(cv, 7)
        return carry

    lax.fori_loop(0, BPW // L, prep_body, 0)

    lanes = lax.iota(jnp.int32, L)
    bv = b_v[...]

    def fire(c):
        s = c % 2
        hu = pltpu.async_copy(su.at[pu_v.at[pl.ds(c * CHUNK, CHUNK)]],
                              su_buf.at[s], sem_u)
        hc = pltpu.async_copy(sc.at[pc_v.at[pl.ds(c * CHUNK, CHUNK)]],
                              sc_buf.at[s], sem_c)
        return hu, hc

    handles = {0: fire(0)}
    for c in range(NCHUNK):
        if c + 1 < NCHUNK:
            handles[c + 1] = fire(c + 1)
        hu, hc = handles.pop(c)
        hu.wait()
        hc.wait()
        s = c % 2

        def grp_body(g, carry):
            gb = g * L
            uv = uidx_v[pl.ds(c * CHUNK + gb, L)]
            cv = cidx_v[pl.ds(c * CHUNK + gb, L)]
            rows = gb + lanes
            vu = plsc.load_gather(su_buf.at[s], [rows, uv & 127])
            vc = plsc.load_gather(sc_buf.at[s], [rows, cv & 127])
            x = vu + vc + bv
            out_v[pl.ds(c * CHUNK + gb, L)] = 1.0 / (1.0 + jnp.exp(-x))
            return carry

        lax.fori_loop(0, CHUNK // L, grp_body, 0)

    pltpu.sync_copy(out_v, out_hbm.at[pl.ds(base, BPW)])


def kernel(user, category, user_table, category_table, fc_w, fc_b):
    ut_t = user_table.T
    ct_t = category_table.T
    wu_col = fc_w[0, :D].reshape(D, 1)
    wc_col = fc_w[0, D:].reshape(D, 1)
    b_vec = jnp.broadcast_to(fc_b.reshape(1), (L,))

    s_u = _scores(ut_t, wu_col)
    s_c = _scores(ct_t, wc_col)

    run = pl.kernel(
        _lookup_body,
        out_type=jax.ShapeDtypeStruct((B,), jnp.float32),
        mesh=plsc.VectorSubcoreMesh(core_axis_name="c", subcore_axis_name="s"),
        compiler_params=pltpu.CompilerParams(needs_layout_passes=False),
        scratch_types=[
            pltpu.VMEM((BPW,), jnp.int32),
            pltpu.VMEM((BPW,), jnp.int32),
            pltpu.VMEM((BPW,), jnp.int32),
            pltpu.VMEM((BPW,), jnp.int32),
            pltpu.VMEM((2, CHUNK, 128), jnp.float32),
            pltpu.VMEM((2, CHUNK, 128), jnp.float32),
            pltpu.VMEM((BPW,), jnp.float32),
            pltpu.VMEM((L,), jnp.float32),
            pltpu.SemaphoreType.DMA,
            pltpu.SemaphoreType.DMA,
        ],
    )
    return run(user, category, s_u, s_c, b_vec)

# --- scband reference (transcript-rebuilt; emitter-appended) ---
"""Pipeline reference for scband-recommender-32976758899180 (READ-ONLY COPY).

The authoritative reference and input builder live on the scoring server;
editing this copy changes nothing except your own understanding.
"""

import jax, jax.numpy as jnp
import numpy as np

N_USERS = 1000000
N_CATEGORIES = 100000
EMBED_DIM = 64
BATCH = 16384

def setup_inputs(seed: int = 0) -> dict:
    key = jax.random.key(seed)
    k1, k2, k3, k4, k5, k6 = jax.random.split(key, 6)
    user = jax.random.randint(k1, (BATCH,), 0, N_USERS, dtype=jnp.int64 if jax.config.jax_enable_x64 else jnp.int32).astype(jnp.int32)
    category = jax.random.randint(k2, (BATCH,), 0, N_CATEGORIES, dtype=jnp.int32)
    user_table = jax.random.normal(k3, (N_USERS, EMBED_DIM), dtype=jnp.float32)
    category_table = jax.random.normal(k4, (N_CATEGORIES, EMBED_DIM), dtype=jnp.float32)
    fc_w = jax.random.normal(k5, (1, 2 * EMBED_DIM), dtype=jnp.float32) * (1.0 / np.sqrt(2 * EMBED_DIM))
    fc_b = jax.random.normal(k6, (1,), dtype=jnp.float32) * 0.01
    return {"user": user, "category": category, "user_table": user_table, "category_table": category_table, "fc_w": fc_w, "fc_b": fc_b}

def reference(user, category, user_table, category_table, fc_w, fc_b):
    u = jnp.take(user_table, user, axis=0)
    c = jnp.take(category_table, category, axis=0)
    combined = jnp.concatenate([u, c], axis=1)
    logits = combined @ fc_w.T + fc_b
    return jnp.squeeze(jax.nn.sigmoid(logits))

if __name__ == "__main__":
    import jax
    _d = setup_inputs()
    print(jax.jit(kernel)(*tuple(_d.values())))

</pallas_src>

<mosaic_0001>
#map = affine_map<(d0, d1) -> (0)>
#map1 = affine_map<(d0, d1) -> (0, 0)>
module attributes {stable_mosaic.version = 14 : i64} {
  func.func @_lookup_body(%arg0: i32, %arg1: i32, %arg2: memref<16384xi32, #tpu.memory_space<hbm>>, %arg3: memref<16384xi32, #tpu.memory_space<hbm>>, %arg4: memref<7936x128xf32, #tpu.memory_space<hbm>>, %arg5: memref<1024x128xf32, #tpu.memory_space<hbm>>, %arg6: memref<16xf32, #tpu.memory_space<hbm>>, %arg7: memref<16384xf32, #tpu.memory_space<hbm>>, %arg8: memref<512xi32, #tpu.memory_space<vmem>>, %arg9: memref<512xi32, #tpu.memory_space<vmem>>, %arg10: memref<512xi32, #tpu.memory_space<vmem>>, %arg11: memref<512xi32, #tpu.memory_space<vmem>>, %arg12: memref<2x128x128xf32, #tpu.memory_space<vmem>>, %arg13: memref<2x128x128xf32, #tpu.memory_space<vmem>>, %arg14: memref<512xf32, #tpu.memory_space<vmem>>, %arg15: memref<16xf32, #tpu.memory_space<vmem>>, %arg16: memref<!tpu.dma_semaphore, #tpu.memory_space<semaphore_mem>>, %arg17: memref<!tpu.dma_semaphore, #tpu.memory_space<semaphore_mem>>) attributes {dimension_semantics = [#tpu.dimension_semantics<core_parallel>, #tpu.dimension_semantics<subcore_parallel>], iteration_bounds = array<i64: 2, 16>, scalar_prefetch = 0 : i64, scratch_operands = 10 : i64, tpu.core_type = #tpu.core_type<sc_vector_subcore>, window_params = [{transform_indices = #map}, {transform_indices = #map}, {transform_indices = #map1}, {transform_indices = #map1}, {transform_indices = #map}, {transform_indices = #map}]} {
    %mul3A = arith.constant 2 : i32
    %mul3A_0 = arith.muli %arg1, %mul3A : i32
    %add3A = arith.addi %mul3A_0, %arg0 : i32
    %mul3A_1 = arith.constant 512 : i32
    %mul3A_2 = arith.muli %add3A, %mul3A_1 : i32
    "tpu.region"() ({
      %run_scoped3A = tpu.sem_alloc : memref<!tpu.dma_semaphore, #tpu.memory_space<semaphore_mem>>
      %dma_start3A_191 = tpu.memref_slice %arg2[%mul3A_2] : memref<16384xi32, #tpu.memory_space<hbm>> -> memref<512xi32, #tpu.memory_space<hbm>>
      %dma_start3A_192 = tpu.memref_slice %arg2[%mul3A_2] : memref<16384xi32, #tpu.memory_space<hbm>> -> memref<512xi32, #tpu.memory_space<hbm>>
      tpu.enqueue_dma source(%dma_start3A_192 : memref<512xi32, #tpu.memory_space<hbm>>) target(%arg8 : memref<512xi32, #tpu.memory_space<vmem>>) target_semaphore(%run_scoped3A : memref<!tpu.dma_semaphore, #tpu.memory_space<semaphore_mem>>)
      %dma_wait3A_193 = tpu.memref_slice %arg2[%mul3A_2] : memref<16384xi32, #tpu.memory_space<hbm>> -> memref<512xi32, #tpu.memory_space<hbm>>
      %dma_wait3A_194 = tpu.memref_slice %arg2[%mul3A_2] : memref<16384xi32, #tpu.memory_space<hbm>> -> memref<512xi32, #tpu.memory_space<hbm>>
      tpu.wait_dma2 semaphore(%run_scoped3A : memref<!tpu.dma_semaphore, #tpu.memory_space<semaphore_mem>>) src(%dma_wait3A_194 : memref<512xi32, #tpu.memory_space<hbm>>) dst(%arg8 : memref<512xi32, #tpu.memory_space<vmem>>)
      tpu.yield
    }) : () -> ()
    "tpu.region"() ({
      %run_scoped3A = tpu.sem_alloc : memref<!tpu.dma_semaphore, #tpu.memory_space<semaphore_mem>>
      %dma_start3A_191 = tpu.memref_slice %arg3[%mul3A_2] : memref<16384xi32, #tpu.memory_space<hbm>> -> memref<512xi32, #tpu.memory_space<hbm>>
      %dma_start3A_192 = tpu.memref_slice %arg3[%mul3A_2] : memref<16384xi32, #tpu.memory_space<hbm>> -> memref<512xi32, #tpu.memory_space<hbm>>
      tpu.enqueue_dma source(%dma_start3A_192 : memref<512xi32, #tpu.memory_space<hbm>>) target(%arg9 : memref<512xi32, #tpu.memory_space<vmem>>) target_semaphore(%run_scoped3A : memref<!tpu.dma_semaphore, #tpu.memory_space<semaphore_mem>>)
      %dma_wait3A_193 = tpu.memref_slice %arg3[%mul3A_2] : memref<16384xi32, #tpu.memory_space<hbm>> -> memref<512xi32, #tpu.memory_space<hbm>>
      %dma_wait3A_194 = tpu.memref_slice %arg3[%mul3A_2] : memref<16384xi32, #tpu.memory_space<hbm>> -> memref<512xi32, #tpu.memory_space<hbm>>
      tpu.wait_dma2 semaphore(%run_scoped3A : memref<!tpu.dma_semaphore, #tpu.memory_space<semaphore_mem>>) src(%dma_wait3A_194 : memref<512xi32, #tpu.memory_space<hbm>>) dst(%arg9 : memref<512xi32, #tpu.memory_space<vmem>>)
      tpu.yield
    }) : () -> ()
    "tpu.region"() ({
      %run_scoped3A = tpu.sem_alloc : memref<!tpu.dma_semaphore, #tpu.memory_space<semaphore_mem>>
      tpu.enqueue_dma source(%arg6 : memref<16xf32, #tpu.memory_space<hbm>>) target(%arg15 : memref<16xf32, #tpu.memory_space<vmem>>) target_semaphore(%run_scoped3A : memref<!tpu.dma_semaphore, #tpu.memory_space<semaphore_mem>>)
      tpu.wait_dma2 semaphore(%run_scoped3A : memref<!tpu.dma_semaphore, #tpu.memory_space<semaphore_mem>>) src(%arg6 : memref<16xf32, #tpu.memory_space<hbm>>) dst(%arg15 : memref<16xf32, #tpu.memory_space<vmem>>)
      tpu.yield
    }) : () -> ()
    %scan3A = arith.constant 0 : i32
    %scan3A_3 = arith.constant 0 : i32
    %scan3A_4 = arith.constant 32 : i32
    %scan3A_5 = arith.addi %scan3A_3, %scan3A_4 : i32
    %scan3A_6 = arith.constant 1 : i32
    scf.for %scan3A_191 = %scan3A_3 to %scan3A_5 step %scan3A_6  : i32 {
      %mul3A_192 = arith.constant 16 : i32
      %mul3A_193 = arith.muli %scan3A_191, %mul3A_192 : i32
      %get3A_194 = arith.index_cast %mul3A_193 : i32 to index
      %get3A_195 = tpu.vector_load %arg8[%get3A_194] {strides = array<i32>} : memref<512xi32, #tpu.memory_space<vmem>>, vector<16xi32>,
      %get3A_196 = arith.index_cast %mul3A_193 : i32 to index
      %get3A_197 = tpu.vector_load %arg9[%get3A_196] {strides = array<i32>} : memref<512xi32, #tpu.memory_space<vmem>>, vector<16xi32>,
      %shift_right_logical3A = arith.constant 7 : i32
      %shift_right_logical3A_198 = vector.broadcast %shift_right_logical3A : i32 to vector<16xi32>
      %shift_right_logical3A_199 = arith.shrui %get3A_195, %shift_right_logical3A_198 : vector<16xi32>
      %swap3A = arith.index_cast %mul3A_193 : i32 to index
      %swap3A_200 = tpu.vector_load %arg10[%swap3A] {strides = array<i32>} : memref<512xi32, #tpu.memory_space<vmem>>, vector<16xi32>,
      tpu.vector_store %arg10[%swap3A], %shift_right_logical3A_199 {strides = array<i32>} : memref<512xi32, #tpu.memory_space<vmem>>, vector<16xi32>,
      %shift_right_logical3A_201 = arith.constant 7 : i32
      %shift_right_logical3A_202 = vector.broadcast %shift_right_logical3A_201 : i32 to vector<16xi32>
      %shift_right_logical3A_203 = arith.shrui %get3A_197, %shift_right_logical3A_202 : vector<16xi32>
      %swap3A_204 = arith.index_cast %mul3A_193 : i32 to index
      %swap3A_205 = tpu.vector_load %arg11[%swap3A_204] {strides = array<i32>} : memref<512xi32, #tpu.memory_space<vmem>>, vector<16xi32>,
      tpu.vector_store %arg11[%swap3A_204], %shift_right_logical3A_203 {strides = array<i32>} : memref<512xi32, #tpu.memory_space<vmem>>, vector<16xi32>,
    }
    %scan3A_7 = arith.constant 32 : i32
    %iota3A = tpu.iota {dimensions = array<i32: 0>} : vector<16xi32>
    %get3A = arith.constant 0 : index
    %get3A_8 = tpu.vector_load %arg15[%get3A] {strides = array<i32>} : memref<16xf32, #tpu.memory_space<vmem>>, vector<16xf32>,
    %dma_start3A = arith.constant 0 : i32
    %dma_start3A_9 = arith.constant 0 : i32
    %dma_start3A_10 = arith.constant 0 : i32
    %dma_start3A_11 = tpu.memref_slice %arg12[%dma_start3A, %dma_start3A_9, %dma_start3A_10] : memref<2x128x128xf32, #tpu.memory_space<vmem>> -> memref<1x128x128xf32, #tpu.memory_space<vmem>>
    %dma_start3A_12 = tpu.memref_squeeze %dma_start3A_11 : memref<1x128x128xf32, #tpu.memory_space<vmem>> -> memref<128x128xf32, #tpu.memory_space<vmem>>
    %dma_start3A_13 = arith.constant 0 : i32
    %dma_start3A_14 = tpu.memref_slice %arg10[%dma_start3A_13] : memref<512xi32, #tpu.memory_space<vmem>> -> memref<128xi32, #tpu.memory_space<vmem>>
    %dma_start3A_15 = arith.constant 0 : i32
    %dma_start3A_16 = arith.constant 0 : i32
    %dma_start3A_17 = tpu.memref_slice %arg4[%dma_start3A_15, %dma_start3A_16] : memref<7936x128xf32, #tpu.memory_space<hbm>> -> memref<7936x128xf32, #tpu.memory_space<hbm>>
    tpu.enqueue_indirect_dma source(%dma_start3A_17 : memref<7936x128xf32, #tpu.memory_space<hbm>>) target(%dma_start3A_12 : memref<128x128xf32, #tpu.memory_space<vmem>>) offsets(%dma_start3A_14 : memref<128xi32, #tpu.memory_space<vmem>>) semaphore(%arg16 : memref<!tpu.dma_semaphore, #tpu.memory_space<semaphore_mem>>)
    %dma_start3A_18 = arith.constant 0 : i32
    %dma_start3A_19 = arith.constant 0 : i32
    %dma_start3A_20 = arith.constant 0 : i32
    %dma_start3A_21 = tpu.memref_slice %arg13[%dma_start3A_18, %dma_start3A_19, %dma_start3A_20] : memref<2x128x128xf32, #tpu.memory_space<vmem>> -> memref<1x128x128xf32, #tpu.memory_space<vmem>>
    %dma_start3A_22 = tpu.memref_squeeze %dma_start3A_21 : memref<1x128x128xf32, #tpu.memory_space<vmem>> -> memref<128x128xf32, #tpu.memory_space<vmem>>
    %dma_start3A_23 = arith.constant 0 : i32
    %dma_start3A_24 = tpu.memref_slice %arg11[%dma_start3A_23] : memref<512xi32, #tpu.memory_space<vmem>> -> memref<128xi32, #tpu.memory_space<vmem>>
    %dma_start3A_25 = arith.constant 0 : i32
    %dma_start3A_26 = arith.constant 0 : i32
    %dma_start3A_27 = tpu.memref_slice %arg5[%dma_start3A_25, %dma_start3A_26] : memref<1024x128xf32, #tpu.memory_space<hbm>> -> memref<1024x128xf32, #tpu.memory_space<hbm>>
    tpu.enqueue_indirect_dma source(%dma_start3A_27 : memref<1024x128xf32, #tpu.memory_space<hbm>>) target(%dma_start3A_22 : memref<128x128xf32, #tpu.memory_space<vmem>>) offsets(%dma_start3A_24 : memref<128xi32, #tpu.memory_space<vmem>>) semaphore(%arg17 : memref<!tpu.dma_semaphore, #tpu.memory_space<semaphore_mem>>)
    %dma_start3A_28 = arith.constant 1 : i32
    %dma_start3A_29 = arith.constant 0 : i32
    %dma_start3A_30 = arith.constant 0 : i32
    %dma_start3A_31 = tpu.memref_slice %arg12[%dma_start3A_28, %dma_start3A_29, %dma_start3A_30] : memref<2x128x128xf32, #tpu.memory_space<vmem>> -> memref<1x128x128xf32, #tpu.memory_space<vmem>>
    %dma_start3A_32 = tpu.memref_squeeze %dma_start3A_31 : memref<1x128x128xf32, #tpu.memory_space<vmem>> -> memref<128x128xf32, #tpu.memory_space<vmem>>
    %dma_start3A_33 = arith.constant 128 : i32
    %dma_start3A_34 = tpu.memref_slice %arg10[%dma_start3A_33] : memref<512xi32, #tpu.memory_space<vmem>> -> memref<128xi32, #tpu.memory_space<vmem>>
    %dma_start3A_35 = arith.constant 0 : i32
    %dma_start3A_36 = arith.constant 0 : i32
    %dma_start3A_37 = tpu.memref_slice %arg4[%dma_start3A_35, %dma_start3A_36] : memref<7936x128xf32, #tpu.memory_space<hbm>> -> memref<7936x128xf32, #tpu.memory_space<hbm>>
    tpu.enqueue_indirect_dma source(%dma_start3A_37 : memref<7936x128xf32, #tpu.memory_space<hbm>>) target(%dma_start3A_32 : memref<128x128xf32, #tpu.memory_space<vmem>>) offsets(%dma_start3A_34 : memref<128xi32, #tpu.memory_space<vmem>>) semaphore(%arg16 : memref<!tpu.dma_semaphore, #tpu.memory_space<semaphore_mem>>)
    %dma_start3A_38 = arith.constant 1 : i32
    %dma_start3A_39 = arith.constant 0 : i32
    %dma_start3A_40 = arith.constant 0 : i32
    %dma_start3A_41 = tpu.memref_slice %arg13[%dma_start3A_38, %dma_start3A_39, %dma_start3A_40] : memref<2x128x128xf32, #tpu.memory_space<vmem>> -> memref<1x128x128xf32, #tpu.memory_space<vmem>>
    %dma_start3A_42 = tpu.memref_squeeze %dma_start3A_41 : memref<1x128x128xf32, #tpu.memory_space<vmem>> -> memref<128x128xf32, #tpu.memory_space<vmem>>
    %dma_start3A_43 = arith.constant 128 : i32
    %dma_start3A_44 = tpu.memref_slice %arg11[%dma_start3A_43] : memref<512xi32, #tpu.memory_space<vmem>> -> memref<128xi32, #tpu.memory_space<vmem>>
    %dma_start3A_45 = arith.constant 0 : i32
    %dma_start3A_46 = arith.constant 0 : i32
    %dma_start3A_47 = tpu.memref_slice %arg5[%dma_start3A_45, %dma_start3A_46] : memref<1024x128xf32, #tpu.memory_space<hbm>> -> memref<1024x128xf32, #tpu.memory_space<hbm>>
    tpu.enqueue_indirect_dma source(%dma_start3A_47 : memref<1024x128xf32, #tpu.memory_space<hbm>>) target(%dma_start3A_42 : memref<128x128xf32, #tpu.memory_space<vmem>>) offsets(%dma_start3A_44 : memref<128xi32, #tpu.memory_space<vmem>>) semaphore(%arg17 : memref<!tpu.dma_semaphore, #tpu.memory_space<semaphore_mem>>)
    %dma_wait3A = arith.constant 0 : i32
    %dma_wait3A_48 = arith.constant 0 : i32
    %dma_wait3A_49 = arith.constant 0 : i32
    %dma_wait3A_50 = tpu.memref_slice %arg12[%dma_wait3A, %dma_wait3A_48, %dma_wait3A_49] : memref<2x128x128xf32, #tpu.memory_space<vmem>> -> memref<1x128x128xf32, #tpu.memory_space<vmem>>
    %dma_wait3A_51 = tpu.memref_squeeze %dma_wait3A_50 : memref<1x128x128xf32, #tpu.memory_space<vmem>> -> memref<128x128xf32, #tpu.memory_space<vmem>>
    %dma_wait3A_52 = arith.constant 0 : i32
    %dma_wait3A_53 = tpu.memref_slice %arg10[%dma_wait3A_52] : memref<512xi32, #tpu.memory_space<vmem>> -> memref<128xi32, #tpu.memory_space<vmem>>
    %dma_wait3A_54 = arith.constant 0 : i32
    %dma_wait3A_55 = arith.constant 0 : i32
    %dma_wait3A_56 = tpu.memref_slice %arg4[%dma_wait3A_54, %dma_wait3A_55] : memref<7936x128xf32, #tpu.memory_space<hbm>> -> memref<7936x128xf32, #tpu.memory_space<hbm>>
    tpu.wait_indirect_dma semaphore(%arg16 : memref<!tpu.dma_semaphore, #tpu.memory_space<semaphore_mem>>) src(%dma_wait3A_56 : memref<7936x128xf32, #tpu.memory_space<hbm>>) dst(%dma_wait3A_51 : memref<128x128xf32, #tpu.memory_space<vmem>>)
    %dma_wait3A_57 = arith.constant 0 : i32
    %dma_wait3A_58 = arith.constant 0 : i32
    %dma_wait3A_59 = arith.constant 0 : i32
    %dma_wait3A_60 = tpu.memref_slice %arg13[%dma_wait3A_57, %dma_wait3A_58, %dma_wait3A_59] : memref<2x128x128xf32, #tpu.memory_space<vmem>> -> memref<1x128x128xf32, #tpu.memory_space<vmem>>
    %dma_wait3A_61 = tpu.memref_squeeze %dma_wait3A_60 : memref<1x128x128xf32, #tpu.memory_space<vmem>> -> memref<128x128xf32, #tpu.memory_space<vmem>>
    %dma_wait3A_62 = arith.constant 0 : i32
    %dma_wait3A_63 = tpu.memref_slice %arg11[%dma_wait3A_62] : memref<512xi32, #tpu.memory_space<vmem>> -> memref<128xi32, #tpu.memory_space<vmem>>
    %dma_wait3A_64 = arith.constant 0 : i32
    %dma_wait3A_65 = arith.constant 0 : i32
    %dma_wait3A_66 = tpu.memref_slice %arg5[%dma_wait3A_64, %dma_wait3A_65] : memref<1024x128xf32, #tpu.memory_space<hbm>> -> memref<1024x128xf32, #tpu.memory_space<hbm>>
    tpu.wait_indirect_dma semaphore(%arg17 : memref<!tpu.dma_semaphore, #tpu.memory_space<semaphore_mem>>) src(%dma_wait3A_66 : memref<1024x128xf32, #tpu.memory_space<hbm>>) dst(%dma_wait3A_61 : memref<128x128xf32, #tpu.memory_space<vmem>>)
    %scan3A_67 = arith.constant 0 : i32
    %scan3A_68 = arith.constant 0 : i32
    %scan3A_69 = arith.constant 8 : i32
    %scan3A_70 = arith.addi %scan3A_68, %scan3A_69 : i32
    %scan3A_71 = arith.constant 1 : i32
    scf.for %scan3A_191 = %scan3A_68 to %scan3A_70 step %scan3A_71  : i32 {
      %mul3A_192 = arith.constant 16 : i32
      %mul3A_193 = arith.muli %scan3A_191, %mul3A_192 : i32
      %add3A_194 = arith.constant 0 : i32
      %add3A_195 = arith.addi %add3A_194, %mul3A_193 : i32
      %get3A_196 = arith.index_cast %add3A_195 : i32 to index
      %get3A_197 = tpu.vector_load %arg8[%get3A_196] {strides = array<i32>} : memref<512xi32, #tpu.memory_space<vmem>>, vector<16xi32>,
      %add3A_198 = arith.constant 0 : i32
      %add3A_199 = arith.addi %add3A_198, %mul3A_193 : i32
      %get3A_200 = arith.index_cast %add3A_199 : i32 to index
      %get3A_201 = tpu.vector_load %arg9[%get3A_200] {strides = array<i32>} : memref<512xi32, #tpu.memory_space<vmem>>, vector<16xi32>,
      %add3A_202 = vector.broadcast %mul3A_193 : i32 to vector<16xi32>
      %add3A_203 = arith.addi %add3A_202, %iota3A : vector<16xi32>
      %and3A = arith.constant 127 : i32
      %and3A_204 = vector.broadcast %and3A : i32 to vector<16xi32>
      %and3A_205 = arith.andi %get3A_197, %and3A_204 : vector<16xi32>
      %gather3A = arith.constant 0 : i32
      %gather3A_206 = arith.constant 0 : i32
      %gather3A_207 = arith.constant 0 : i32
      %gather3A_208 = tpu.memref_slice %arg12[%gather3A, %gather3A_206, %gather3A_207] : memref<2x128x128xf32, #tpu.memory_space<vmem>> -> memref<1x128x128xf32, #tpu.memory_space<vmem>>
      %gather3A_209 = tpu.memref_squeeze %gather3A_208 : memref<1x128x128xf32, #tpu.memory_space<vmem>> -> memref<128x128xf32, #tpu.memory_space<vmem>>
      %gather3A_210 = tpu.vector_load_idx %gather3A_209[%add3A_203, %and3A_205] : memref<128x128xf32, #tpu.memory_space<vmem>>[vector<16xi32>, vector<16xi32>], vector<16xf32>,
      %and3A_211 = arith.constant 127 : i32
      %and3A_212 = vector.broadcast %and3A_211 : i32 to vector<16xi32>
      %and3A_213 = arith.andi %get3A_201, %and3A_212 : vector<16xi32>
      %gather3A_214 = arith.constant 0 : i32
      %gather3A_215 = arith.constant 0 : i32
      %gather3A_216 = arith.constant 0 : i32
      %gather3A_217 = tpu.memref_slice %arg13[%gather3A_214, %gather3A_215, %gather3A_216] : memref<2x128x128xf32, #tpu.memory_space<vmem>> -> memref<1x128x128xf32, #tpu.memory_space<vmem>>
      %gather3A_218 = tpu.memref_squeeze %gather3A_217 : memref<1x128x128xf32, #tpu.memory_space<vmem>> -> memref<128x128xf32, #tpu.memory_space<vmem>>
      %gather3A_219 = tpu.vector_load_idx %gather3A_218[%add3A_203, %and3A_213] : memref<128x128xf32, #tpu.memory_space<vmem>>[vector<16xi32>, vector<16xi32>], vector<16xf32>,
      %add3A_220 = arith.addf %gather3A_210, %gather3A_219 : vector<16xf32>
      %add3A_221 = arith.addf %add3A_220, %get3A_8 : vector<16xf32>
      %neg3A = arith.constant 0.000000e+00 : f32
      %neg3A_222 = vector.broadcast %neg3A : f32 to vector<16xf32>
      %neg3A_223 = arith.subf %neg3A_222, %add3A_221 : vector<16xf32>
      %exp3A = math.exp %neg3A_223 : vector<16xf32>
      %add3A_224 = arith.constant 1.000000e+00 : f32
      %add3A_225 = vector.broadcast %add3A_224 : f32 to vector<16xf32>
      %add3A_226 = arith.addf %add3A_225, %exp3A : vector<16xf32>
      %div3A = arith.constant 1.000000e+00 : f32
      %div3A_227 = vector.broadcast %div3A : f32 to vector<16xf32>
      %div3A_228 = arith.divf %div3A_227, %add3A_226 : vector<16xf32>
      %add3A_229 = arith.constant 0 : i32
      %add3A_230 = arith.addi %add3A_229, %mul3A_193 : i32
      %swap3A = arith.index_cast %add3A_230 : i32 to index
      %swap3A_231 = tpu.vector_load %arg14[%swap3A] {strides = array<i32>} : memref<512xf32, #tpu.memory_space<vmem>>, vector<16xf32>,
      tpu.vector_store %arg14[%swap3A], %div3A_228 {strides = array<i32>} : memref<512xf32, #tpu.memory_space<vmem>>, vector<16xf32>,
    }
    %scan3A_72 = arith.constant 8 : i32
    %dma_start3A_73 = arith.constant 0 : i32
    %dma_start3A_74 = arith.constant 0 : i32
    %dma_start3A_75 = arith.constant 0 : i32
    %dma_start3A_76 = tpu.memref_slice %arg12[%dma_start3A_73, %dma_start3A_74, %dma_start3A_75] : memref<2x128x128xf32, #tpu.memory_space<vmem>> -> memref<1x128x128xf32, #tpu.memory_space<vmem>>
    %dma_start3A_77 = tpu.memref_squeeze %dma_start3A_76 : memref<1x128x128xf32, #tpu.memory_space<vmem>> -> memref<128x128xf32, #tpu.memory_space<vmem>>
    %dma_start3A_78 = arith.constant 256 : i32
    %dma_start3A_79 = tpu.memref_slice %arg10[%dma_start3A_78] : memref<512xi32, #tpu.memory_space<vmem>> -> memref<128xi32, #tpu.memory_space<vmem>>
    %dma_start3A_80 = arith.constant 0 : i32
    %dma_start3A_81 = arith.constant 0 : i32
    %dma_start3A_82 = tpu.memref_slice %arg4[%dma_start3A_80, %dma_start3A_81] : memref<7936x128xf32, #tpu.memory_space<hbm>> -> memref<7936x128xf32, #tpu.memory_space<hbm>>
    tpu.enqueue_indirect_dma source(%dma_start3A_82 : memref<7936x128xf32, #tpu.memory_space<hbm>>) target(%dma_start3A_77 : memref<128x128xf32, #tpu.memory_space<vmem>>) offsets(%dma_start3A_79 : memref<128xi32, #tpu.memory_space<vmem>>) semaphore(%arg16 : memref<!tpu.dma_semaphore, #tpu.memory_space<semaphore_mem>>)
    %dma_start3A_83 = arith.constant 0 : i32
    %dma_start3A_84 = arith.constant 0 : i32
    %dma_start3A_85 = arith.constant 0 : i32
    %dma_start3A_86 = tpu.memref_slice %arg13[%dma_start3A_83, %dma_start3A_84, %dma_start3A_85] : memref<2x128x128xf32, #tpu.memory_space<vmem>> -> memref<1x128x128xf32, #tpu.memory_space<vmem>>
    %dma_start3A_87 = tpu.memref_squeeze %dma_start3A_86 : memref<1x128x128xf32, #tpu.memory_space<vmem>> -> memref<128x128xf32, #tpu.memory_space<vmem>>
    %dma_start3A_88 = arith.constant 256 : i32
    %dma_start3A_89 = tpu.memref_slice %arg11[%dma_start3A_88] : memref<512xi32, #tpu.memory_space<vmem>> -> memref<128xi32, #tpu.memory_space<vmem>>
    %dma_start3A_90 = arith.constant 0 : i32
    %dma_start3A_91 = arith.constant 0 : i32
    %dma_start3A_92 = tpu.memref_slice %arg5[%dma_start3A_90, %dma_start3A_91] : memref<1024x128xf32, #tpu.memory_space<hbm>> -> memref<1024x128xf32, #tpu.memory_space<hbm>>
    tpu.enqueue_indirect_dma source(%dma_start3A_92 : memref<1024x128xf32, #tpu.memory_space<hbm>>) target(%dma_start3A_87 : memref<128x128xf32, #tpu.memory_space<vmem>>) offsets(%dma_start3A_89 : memref<128xi32, #tpu.memory_space<vmem>>) semaphore(%arg17 : memref<!tpu.dma_semaphore, #tpu.memory_space<semaphore_mem>>)
    %dma_wait3A_93 = arith.constant 1 : i32
    %dma_wait3A_94 = arith.constant 0 : i32
    %dma_wait3A_95 = arith.constant 0 : i32
    %dma_wait3A_96 = tpu.memref_slice %arg12[%dma_wait3A_93, %dma_wait3A_94, %dma_wait3A_95] : memref<2x128x128xf32, #tpu.memory_space<vmem>> -> memref<1x128x128xf32, #tpu.memory_space<vmem>>
    %dma_wait3A_97 = tpu.memref_squeeze %dma_wait3A_96 : memref<1x128x128xf32, #tpu.memory_space<vmem>> -> memref<128x128xf32, #tpu.memory_space<vmem>>
    %dma_wait3A_98 = arith.constant 128 : i32
    %dma_wait3A_99 = tpu.memref_slice %arg10[%dma_wait3A_98] : memref<512xi32, #tpu.memory_space<vmem>> -> memref<128xi32, #tpu.memory_space<vmem>>
    %dma_wait3A_100 = arith.constant 0 : i32
    %dma_wait3A_101 = arith.constant 0 : i32
    %dma_wait3A_102 = tpu.memref_slice %arg4[%dma_wait3A_100, %dma_wait3A_101] : memref<7936x128xf32, #tpu.memory_space<hbm>> -> memref<7936x128xf32, #tpu.memory_space<hbm>>
    tpu.wait_indirect_dma semaphore(%arg16 : memref<!tpu.dma_semaphore, #tpu.memory_space<semaphore_mem>>) src(%dma_wait3A_102 : memref<7936x128xf32, #tpu.memory_space<hbm>>) dst(%dma_wait3A_97 : memref<128x128xf32, #tpu.memory_space<vmem>>)
    %dma_wait3A_103 = arith.constant 1 : i32
    %dma_wait3A_104 = arith.constant 0 : i32
    %dma_wait3A_105 = arith.constant 0 : i32
    %dma_wait3A_106 = tpu.memref_slice %arg13[%dma_wait3A_103, %dma_wait3A_104, %dma_wait3A_105] : memref<2x128x128xf32, #tpu.memory_space<vmem>> -> memref<1x128x128xf32, #tpu.memory_space<vmem>>
    %dma_wait3A_107 = tpu.memref_squeeze %dma_wait3A_106 : memref<1x128x128xf32, #tpu.memory_space<vmem>> -> memref<128x128xf32, #tpu.memory_space<vmem>>
    %dma_wait3A_108 = arith.constant 128 : i32
    %dma_wait3A_109 = tpu.memref_slice %arg11[%dma_wait3A_108] : memref<512xi32, #tpu.memory_space<vmem>> -> memref<128xi32, #tpu.memory_space<vmem>>
    %dma_wait3A_110 = arith.constant 0 : i32
    %dma_wait3A_111 = arith.constant 0 : i32
    %dma_wait3A_112 = tpu.memref_slice %arg5[%dma_wait3A_110, %dma_wait3A_111] : memref<1024x128xf32, #tpu.memory_space<hbm>> -> memref<1024x128xf32, #tpu.memory_space<hbm>>
    tpu.wait_indirect_dma semaphore(%arg17 : memref<!tpu.dma_semaphore, #tpu.memory_space<semaphore_mem>>) src(%dma_wait3A_112 : memref<1024x128xf32, #tpu.memory_space<hbm>>) dst(%dma_wait3A_107 : memref<128x128xf32, #tpu.memory_space<vmem>>)
    %scan3A_113 = arith.constant 0 : i32
    %scan3A_114 = arith.constant 0 : i32
    %scan3A_115 = arith.constant 8 : i32
    %scan3A_116 = arith.addi %scan3A_114, %scan3A_115 : i32
    %scan3A_117 = arith.constant 1 : i32
    scf.for %scan3A_191 = %scan3A_114 to %scan3A_116 step %scan3A_117  : i32 {
      %mul3A_192 = arith.constant 16 : i32
      %mul3A_193 = arith.muli %scan3A_191, %mul3A_192 : i32
      %add3A_194 = arith.constant 128 : i32
      %add3A_195 = arith.addi %add3A_194, %mul3A_193 : i32
      %get3A_196 = arith.index_cast %add3A_195 : i32 to index
      %get3A_197 = tpu.vector_load %arg8[%get3A_196] {strides = array<i32>} : memref<512xi32, #tpu.memory_space<vmem>>, vector<16xi32>,
      %add3A_198 = arith.constant 128 : i32
      %add3A_199 = arith.addi %add3A_198, %mul3A_193 : i32
      %get3A_200 = arith.index_cast %add3A_199 : i32 to index
      %get3A_201 = tpu.vector_load %arg9[%get3A_200] {strides = array<i32>} : memref<512xi32, #tpu.memory_space<vmem>>, vector<16xi32>,
      %add3A_202 = vector.broadcast %mul3A_193 : i32 to vector<16xi32>
      %add3A_203 = arith.addi %add3A_202, %iota3A : vector<16xi32>
      %and3A = arith.constant 127 : i32
      %and3A_204 = vector.broadcast %and3A : i32 to vector<16xi32>
      %and3A_205 = arith.andi %get3A_197, %and3A_204 : vector<16xi32>
      %gather3A = arith.constant 1 : i32
      %gather3A_206 = arith.constant 0 : i32
      %gather3A_207 = arith.constant 0 : i32
      %gather3A_208 = tpu.memref_slice %arg12[%gather3A, %gather3A_206, %gather3A_207] : memref<2x128x128xf32, #tpu.memory_space<vmem>> -> memref<1x128x128xf32, #tpu.memory_space<vmem>>
      %gather3A_209 = tpu.memref_squeeze %gather3A_208 : memref<1x128x128xf32, #tpu.memory_space<vmem>> -> memref<128x128xf32, #tpu.memory_space<vmem>>
      %gather3A_210 = tpu.vector_load_idx %gather3A_209[%add3A_203, %and3A_205] : memref<128x128xf32, #tpu.memory_space<vmem>>[vector<16xi32>, vector<16xi32>], vector<16xf32>,
      %and3A_211 = arith.constant 127 : i32
      %and3A_212 = vector.broadcast %and3A_211 : i32 to vector<16xi32>
      %and3A_213 = arith.andi %get3A_201, %and3A_212 : vector<16xi32>
      %gather3A_214 = arith.constant 1 : i32
      %gather3A_215 = arith.constant 0 : i32
      %gather3A_216 = arith.constant 0 : i32
      %gather3A_217 = tpu.memref_slice %arg13[%gather3A_214, %gather3A_215, %gather3A_216] : memref<2x128x128xf32, #tpu.memory_space<vmem>> -> memref<1x128x128xf32, #tpu.memory_space<vmem>>
      %gather3A_218 = tpu.memref_squeeze %gather3A_217 : memref<1x128x128xf32, #tpu.memory_space<vmem>> -> memref<128x128xf32, #tpu.memory_space<vmem>>
      %gather3A_219 = tpu.vector_load_idx %gather3A_218[%add3A_203, %and3A_213] : memref<128x128xf32, #tpu.memory_space<vmem>>[vector<16xi32>, vector<16xi32>], vector<16xf32>,
      %add3A_220 = arith.addf %gather3A_210, %gather3A_219 : vector<16xf32>
      %add3A_221 = arith.addf %add3A_220, %get3A_8 : vector<16xf32>
      %neg3A = arith.constant 0.000000e+00 : f32
      %neg3A_222 = vector.broadcast %neg3A : f32 to vector<16xf32>
      %neg3A_223 = arith.subf %neg3A_222, %add3A_221 : vector<16xf32>
      %exp3A = math.exp %neg3A_223 : vector<16xf32>
      %add3A_224 = arith.constant 1.000000e+00 : f32
      %add3A_225 = vector.broadcast %add3A_224 : f32 to vector<16xf32>
      %add3A_226 = arith.addf %add3A_225, %exp3A : vector<16xf32>
      %div3A = arith.constant 1.000000e+00 : f32
      %div3A_227 = vector.broadcast %div3A : f32 to vector<16xf32>
      %div3A_228 = arith.divf %div3A_227, %add3A_226 : vector<16xf32>
      %add3A_229 = arith.constant 128 : i32
      %add3A_230 = arith.addi %add3A_229, %mul3A_193 : i32
      %swap3A = arith.index_cast %add3A_230 : i32 to index
      %swap3A_231 = tpu.vector_load %arg14[%swap3A] {strides = array<i32>} : memref<512xf32, #tpu.memory_space<vmem>>, vector<16xf32>,
      tpu.vector_store %arg14[%swap3A], %div3A_228 {strides = array<i32>} : memref<512xf32, #tpu.memory_space<vmem>>, vector<16xf32>,
    }
    %scan3A_118 = arith.constant 8 : i32
    %dma_start3A_119 = arith.constant 1 : i32
    %dma_start3A_120 = arith.constant 0 : i32
    %dma_start3A_121 = arith.constant 0 : i32
    %dma_start3A_122 = tpu.memref_slice %arg12[%dma_start3A_119, %dma_start3A_120, %dma_start3A_121] : memref<2x128x128xf32, #tpu.memory_space<vmem>> -> memref<1x128x128xf32, #tpu.memory_space<vmem>>
    %dma_start3A_123 = tpu.memref_squeeze %dma_start3A_122 : memref<1x128x128xf32, #tpu.memory_space<vmem>> -> memref<128x128xf32, #tpu.memory_space<vmem>>
    %dma_start3A_124 = arith.constant 384 : i32
    %dma_start3A_125 = tpu.memref_slice %arg10[%dma_start3A_124] : memref<512xi32, #tpu.memory_space<vmem>> -> memref<128xi32, #tpu.memory_space<vmem>>
    %dma_start3A_126 = arith.constant 0 : i32
    %dma_start3A_127 = arith.constant 0 : i32
    %dma_start3A_128 = tpu.memref_slice %arg4[%dma_start3A_126, %dma_start3A_127] : memref<7936x128xf32, #tpu.memory_space<hbm>> -> memref<7936x128xf32, #tpu.memory_space<hbm>>
    tpu.enqueue_indirect_dma source(%dma_start3A_128 : memref<7936x128xf32, #tpu.memory_space<hbm>>) target(%dma_start3A_123 : memref<128x128xf32, #tpu.memory_space<vmem>>) offsets(%dma_start3A_125 : memref<128xi32, #tpu.memory_space<vmem>>) semaphore(%arg16 : memref<!tpu.dma_semaphore, #tpu.memory_space<semaphore_mem>>)
    %dma_start3A_129 = arith.constant 1 : i32
    %dma_start3A_130 = arith.constant 0 : i32
    %dma_start3A_131 = arith.constant 0 : i32
    %dma_start3A_132 = tpu.memref_slice %arg13[%dma_start3A_129, %dma_start3A_130, %dma_start3A_131] : memref<2x128x128xf32, #tpu.memory_space<vmem>> -> memref<1x128x128xf32, #tpu.memory_space<vmem>>
    %dma_start3A_133 = tpu.memref_squeeze %dma_start3A_132 : memref<1x128x128xf32, #tpu.memory_space<vmem>> -> memref<128x128xf32, #tpu.memory_space<vmem>>
    %dma_start3A_134 = arith.constant 384 : i32
    %dma_start3A_135 = tpu.memref_slice %arg11[%dma_start3A_134] : memref<512xi32, #tpu.memory_space<vmem>> -> memref<128xi32, #tpu.memory_space<vmem>>
    %dma_start3A_136 = arith.constant 0 : i32
    %dma_start3A_137 = arith.constant 0 : i32
    %dma_start3A_138 = tpu.memref_slice %arg5[%dma_start3A_136, %dma_start3A_137] : memref<1024x128xf32, #tpu.memory_space<hbm>> -> memref<1024x128xf32, #tpu.memory_space<hbm>>
    tpu.enqueue_indirect_dma source(%dma_start3A_138 : memref<1024x128xf32, #tpu.memory_space<hbm>>) target(%dma_start3A_133 : memref<128x128xf32, #tpu.memory_space<vmem>>) offsets(%dma_start3A_135 : memref<128xi32, #tpu.memory_space<vmem>>) semaphore(%arg17 : memref<!tpu.dma_semaphore, #tpu.memory_space<semaphore_mem>>)
    %dma_wait3A_139 = arith.constant 0 : i32
    %dma_wait3A_140 = arith.constant 0 : i32
    %dma_wait3A_141 = arith.constant 0 : i32
    %dma_wait3A_142 = tpu.memref_slice %arg12[%dma_wait3A_139, %dma_wait3A_140, %dma_wait3A_141] : memref<2x128x128xf32, #tpu.memory_space<vmem>> -> memref<1x128x128xf32, #tpu.memory_space<vmem>>
    %dma_wait3A_143 = tpu.memref_squeeze %dma_wait3A_142 : memref<1x128x128xf32, #tpu.memory_space<vmem>> -> memref<128x128xf32, #tpu.memory_space<vmem>>
    %dma_wait3A_144 = arith.constant 256 : i32
    %dma_wait3A_145 = tpu.memref_slice %arg10[%dma_wait3A_144] : memref<512xi32, #tpu.memory_space<vmem>> -> memref<128xi32, #tpu.memory_space<vmem>>
    %dma_wait3A_146 = arith.constant 0 : i32
    %dma_wait3A_147 = arith.constant 0 : i32
    %dma_wait3A_148 = tpu.memref_slice %arg4[%dma_wait3A_146, %dma_wait3A_147] : memref<7936x128xf32, #tpu.memory_space<hbm>> -> memref<7936x128xf32, #tpu.memory_space<hbm>>
    tpu.wait_indirect_dma semaphore(%arg16 : memref<!tpu.dma_semaphore, #tpu.memory_space<semaphore_mem>>) src(%dma_wait3A_148 : memref<7936x128xf32, #tpu.memory_space<hbm>>) dst(%dma_wait3A_143 : memref<128x128xf32, #tpu.memory_space<vmem>>)
    %dma_wait3A_149 = arith.constant 0 : i32
    %dma_wait3A_150 = arith.constant 0 : i32
    %dma_wait3A_151 = arith.constant 0 : i32
    %dma_wait3A_152 = tpu.memref_slice %arg13[%dma_wait3A_149, %dma_wait3A_150, %dma_wait3A_151] : memref<2x128x128xf32, #tpu.memory_space<vmem>> -> memref<1x128x128xf32, #tpu.memory_space<vmem>>
    %dma_wait3A_153 = tpu.memref_squeeze %dma_wait3A_152 : memref<1x128x128xf32, #tpu.memory_space<vmem>> -> memref<128x128xf32, #tpu.memory_space<vmem>>
    %dma_wait3A_154 = arith.constant 256 : i32
    %dma_wait3A_155 = tpu.memref_slice %arg11[%dma_wait3A_154] : memref<512xi32, #tpu.memory_space<vmem>> -> memref<128xi32, #tpu.memory_space<vmem>>
    %dma_wait3A_156 = arith.constant 0 : i32
    %dma_wait3A_157 = arith.constant 0 : i32
    %dma_wait3A_158 = tpu.memref_slice %arg5[%dma_wait3A_156, %dma_wait3A_157] : memref<1024x128xf32, #tpu.memory_space<hbm>> -> memref<1024x128xf32, #tpu.memory_space<hbm>>
    tpu.wait_indirect_dma semaphore(%arg17 : memref<!tpu.dma_semaphore, #tpu.memory_space<semaphore_mem>>) src(%dma_wait3A_158 : memref<1024x128xf32, #tpu.memory_space<hbm>>) dst(%dma_wait3A_153 : memref<128x128xf32, #tpu.memory_space<vmem>>)
    %scan3A_159 = arith.constant 0 : i32
    %scan3A_160 = arith.constant 0 : i32
    %scan3A_161 = arith.constant 8 : i32
    %scan3A_162 = arith.addi %scan3A_160, %scan3A_161 : i32
    %scan3A_163 = arith.constant 1 : i32
    scf.for %scan3A_191 = %scan3A_160 to %scan3A_162 step %scan3A_163  : i32 {
      %mul3A_192 = arith.constant 16 : i32
      %mul3A_193 = arith.muli %scan3A_191, %mul3A_192 : i32
      %add3A_194 = arith.constant 256 : i32
      %add3A_195 = arith.addi %add3A_194, %mul3A_193 : i32
      %get3A_196 = arith.index_cast %add3A_195 : i32 to index
      %get3A_197 = tpu.vector_load %arg8[%get3A_196] {strides = array<i32>} : memref<512xi32, #tpu.memory_space<vmem>>, vector<16xi32>,
      %add3A_198 = arith.constant 256 : i32
      %add3A_199 = arith.addi %add3A_198, %mul3A_193 : i32
      %get3A_200 = arith.index_cast %add3A_199 : i32 to index
      %get3A_201 = tpu.vector_load %arg9[%get3A_200] {strides = array<i32>} : memref<512xi32, #tpu.memory_space<vmem>>, vector<16xi32>,
      %add3A_202 = vector.broadcast %mul3A_193 : i32 to vector<16xi32>
      %add3A_203 = arith.addi %add3A_202, %iota3A : vector<16xi32>
      %and3A = arith.constant 127 : i32
      %and3A_204 = vector.broadcast %and3A : i32 to vector<16xi32>
      %and3A_205 = arith.andi %get3A_197, %and3A_204 : vector<16xi32>
      %gather3A = arith.constant 0 : i32
      %gather3A_206 = arith.constant 0 : i32
      %gather3A_207 = arith.constant 0 : i32
      %gather3A_208 = tpu.memref_slice %arg12[%gather3A, %gather3A_206, %gather3A_207] : memref<2x128x128xf32, #tpu.memory_space<vmem>> -> memref<1x128x128xf32, #tpu.memory_space<vmem>>
      %gather3A_209 = tpu.memref_squeeze %gather3A_208 : memref<1x128x128xf32, #tpu.memory_space<vmem>> -> memref<128x128xf32, #tpu.memory_space<vmem>>
      %gather3A_210 = tpu.vector_load_idx %gather3A_209[%add3A_203, %and3A_205] : memref<128x128xf32, #tpu.memory_space<vmem>>[vector<16xi32>, vector<16xi32>], vector<16xf32>,
      %and3A_211 = arith.constant 127 : i32
      %and3A_212 = vector.broadcast %and3A_211 : i32 to vector<16xi32>
      %and3A_213 = arith.andi %get3A_201, %and3A_212 : vector<16xi32>
      %gather3A_214 = arith.constant 0 : i32
      %gather3A_215 = arith.constant 0 : i32
      %gather3A_216 = arith.constant 0 : i32
      %gather3A_217 = tpu.memref_slice %arg13[%gather3A_214, %gather3A_215, %gather3A_216] : memref<2x128x128xf32, #tpu.memory_space<vmem>> -> memref<1x128x128xf32, #tpu.memory_space<vmem>>
      %gather3A_218 = tpu.memref_squeeze %gather3A_217 : memref<1x128x128xf32, #tpu.memory_space<vmem>> -> memref<128x128xf32, #tpu.memory_space<vmem>>
      %gather3A_219 = tpu.vector_load_idx %gather3A_218[%add3A_203, %and3A_213] : memref<128x128xf32, #tpu.memory_space<vmem>>[vector<16xi32>, vector<16xi32>], vector<16xf32>,
      %add3A_220 = arith.addf %gather3A_210, %gather3A_219 : vector<16xf32>
      %add3A_221 = arith.addf %add3A_220, %get3A_8 : vector<16xf32>
      %neg3A = arith.constant 0.000000e+00 : f32
      %neg3A_222 = vector.broadcast %neg3A : f32 to vector<16xf32>
      %neg3A_223 = arith.subf %neg3A_222, %add3A_221 : vector<16xf32>
      %exp3A = math.exp %neg3A_223 : vector<16xf32>
      %add3A_224 = arith.constant 1.000000e+00 : f32
      %add3A_225 = vector.broadcast %add3A_224 : f32 to vector<16xf32>
      %add3A_226 = arith.addf %add3A_225, %exp3A : vector<16xf32>
      %div3A = arith.constant 1.000000e+00 : f32
      %div3A_227 = vector.broadcast %div3A : f32 to vector<16xf32>
      %div3A_228 = arith.divf %div3A_227, %add3A_226 : vector<16xf32>
      %add3A_229 = arith.constant 256 : i32
      %add3A_230 = arith.addi %add3A_229, %mul3A_193 : i32
      %swap3A = arith.index_cast %add3A_230 : i32 to index
      %swap3A_231 = tpu.vector_load %arg14[%swap3A] {strides = array<i32>} : memref<512xf32, #tpu.memory_space<vmem>>, vector<16xf32>,
      tpu.vector_store %arg14[%swap3A], %div3A_228 {strides = array<i32>} : memref<512xf32, #tpu.memory_space<vmem>>, vector<16xf32>,
    }
    %scan3A_164 = arith.constant 8 : i32
    %dma_wait3A_165 = arith.constant 1 : i32
    %dma_wait3A_166 = arith.constant 0 : i32
    %dma_wait3A_167 = arith.constant 0 : i32
    %dma_wait3A_168 = tpu.memref_slice %arg12[%dma_wait3A_165, %dma_wait3A_166, %dma_wait3A_167] : memref<2x128x128xf32, #tpu.memory_space<vmem>> -> memref<1x128x128xf32, #tpu.memory_space<vmem>>
    %dma_wait3A_169 = tpu.memref_squeeze %dma_wait3A_168 : memref<1x128x128xf32, #tpu.memory_space<vmem>> -> memref<128x128xf32, #tpu.memory_space<vmem>>
    %dma_wait3A_170 = arith.constant 384 : i32
    %dma_wait3A_171 = tpu.memref_slice %arg10[%dma_wait3A_170] : memref<512xi32, #tpu.memory_space<vmem>> -> memref<128xi32, #tpu.memory_space<vmem>>
    %dma_wait3A_172 = arith.constant 0 : i32
    %dma_wait3A_173 = arith.constant 0 : i32
    %dma_wait3A_174 = tpu.memref_slice %arg4[%dma_wait3A_172, %dma_wait3A_173] : memref<7936x128xf32, #tpu.memory_space<hbm>> -> memref<7936x128xf32, #tpu.memory_space<hbm>>
    tpu.wait_indirect_dma semaphore(%arg16 : memref<!tpu.dma_semaphore, #tpu.memory_space<semaphore_mem>>) src(%dma_wait3A_174 : memref<7936x128xf32, #tpu.memory_space<hbm>>) dst(%dma_wait3A_169 : memref<128x128xf32, #tpu.memory_space<vmem>>)
    %dma_wait3A_175 = arith.constant 1 : i32
    %dma_wait3A_176 = arith.constant 0 : i32
    %dma_wait3A_177 = arith.constant 0 : i32
    %dma_wait3A_178 = tpu.memref_slice %arg13[%dma_wait3A_175, %dma_wait3A_176, %dma_wait3A_177] : memref<2x128x128xf32, #tpu.memory_space<vmem>> -> memref<1x128x128xf32, #tpu.memory_space<vmem>>
    %dma_wait3A_179 = tpu.memref_squeeze %dma_wait3A_178 : memref<1x128x128xf32, #tpu.memory_space<vmem>> -> memref<128x128xf32, #tpu.memory_space<vmem>>
    %dma_wait3A_180 = arith.constant 384 : i32
    %dma_wait3A_181 = tpu.memref_slice %arg11[%dma_wait3A_180] : memref<512xi32, #tpu.memory_space<vmem>> -> memref<128xi32, #tpu.memory_space<vmem>>
    %dma_wait3A_182 = arith.constant 0 : i32
    %dma_wait3A_183 = arith.constant 0 : i32
    %dma_wait3A_184 = tpu.memref_slice %arg5[%dma_wait3A_182, %dma_wait3A_183] : memref<1024x128xf32, #tpu.memory_space<hbm>> -> memref<1024x128xf32, #tpu.memory_space<hbm>>
    tpu.wait_indirect_dma semaphore(%arg17 : memref<!tpu.dma_semaphore, #tpu.memory_space<semaphore_mem>>) src(%dma_wait3A_184 : memref<1024x128xf32, #tpu.memory_space<hbm>>) dst(%dma_wait3A_179 : memref<128x128xf32, #tpu.memory_space<vmem>>)
    %scan3A_185 = arith.constant 0 : i32
    %scan3A_186 = arith.constant 0 : i32
    %scan3A_187 = arith.constant 8 : i32
    %scan3A_188 = arith.addi %scan3A_186, %scan3A_187 : i32
    %scan3A_189 = arith.constant 1 : i32
    scf.for %scan3A_191 = %scan3A_186 to %scan3A_188 step %scan3A_189  : i32 {
      %mul3A_192 = arith.constant 16 : i32
      %mul3A_193 = arith.muli %scan3A_191, %mul3A_192 : i32
      %add3A_194 = arith.constant 384 : i32
      %add3A_195 = arith.addi %add3A_194, %mul3A_193 : i32
      %get3A_196 = arith.index_cast %add3A_195 : i32 to index
      %get3A_197 = tpu.vector_load %arg8[%get3A_196] {strides = array<i32>} : memref<512xi32, #tpu.memory_space<vmem>>, vector<16xi32>,
      %add3A_198 = arith.constant 384 : i32
      %add3A_199 = arith.addi %add3A_198, %mul3A_193 : i32
      %get3A_200 = arith.index_cast %add3A_199 : i32 to index
      %get3A_201 = tpu.vector_load %arg9[%get3A_200] {strides = array<i32>} : memref<512xi32, #tpu.memory_space<vmem>>, vector<16xi32>,
      %add3A_202 = vector.broadcast %mul3A_193 : i32 to vector<16xi32>
      %add3A_203 = arith.addi %add3A_202, %iota3A : vector<16xi32>
      %and3A = arith.constant 127 : i32
      %and3A_204 = vector.broadcast %and3A : i32 to vector<16xi32>
      %and3A_205 = arith.andi %get3A_197, %and3A_204 : vector<16xi32>
      %gather3A = arith.constant 1 : i32
      %gather3A_206 = arith.constant 0 : i32
      %gather3A_207 = arith.constant 0 : i32
      %gather3A_208 = tpu.memref_slice %arg12[%gather3A, %gather3A_206, %gather3A_207] : memref<2x128x128xf32, #tpu.memory_space<vmem>> -> memref<1x128x128xf32, #tpu.memory_space<vmem>>
      %gather3A_209 = tpu.memref_squeeze %gather3A_208 : memref<1x128x128xf32, #tpu.memory_space<vmem>> -> memref<128x128xf32, #tpu.memory_space<vmem>>
      %gather3A_210 = tpu.vector_load_idx %gather3A_209[%add3A_203, %and3A_205] : memref<128x128xf32, #tpu.memory_space<vmem>>[vector<16xi32>, vector<16xi32>], vector<16xf32>,
      %and3A_211 = arith.constant 127 : i32
      %and3A_212 = vector.broadcast %and3A_211 : i32 to vector<16xi32>
      %and3A_213 = arith.andi %get3A_201, %and3A_212 : vector<16xi32>
      %gather3A_214 = arith.constant 1 : i32
      %gather3A_215 = arith.constant 0 : i32
      %gather3A_216 = arith.constant 0 : i32
      %gather3A_217 = tpu.memref_slice %arg13[%gather3A_214, %gather3A_215, %gather3A_216] : memref<2x128x128xf32, #tpu.memory_space<vmem>> -> memref<1x128x128xf32, #tpu.memory_space<vmem>>
      %gather3A_218 = tpu.memref_squeeze %gather3A_217 : memref<1x128x128xf32, #tpu.memory_space<vmem>> -> memref<128x128xf32, #tpu.memory_space<vmem>>
      %gather3A_219 = tpu.vector_load_idx %gather3A_218[%add3A_203, %and3A_213] : memref<128x128xf32, #tpu.memory_space<vmem>>[vector<16xi32>, vector<16xi32>], vector<16xf32>,
      %add3A_220 = arith.addf %gather3A_210, %gather3A_219 : vector<16xf32>
      %add3A_221 = arith.addf %add3A_220, %get3A_8 : vector<16xf32>
      %neg3A = arith.constant 0.000000e+00 : f32
      %neg3A_222 = vector.broadcast %neg3A : f32 to vector<16xf32>
      %neg3A_223 = arith.subf %neg3A_222, %add3A_221 : vector<16xf32>
      %exp3A = math.exp %neg3A_223 : vector<16xf32>
      %add3A_224 = arith.constant 1.000000e+00 : f32
      %add3A_225 = vector.broadcast %add3A_224 : f32 to vector<16xf32>
      %add3A_226 = arith.addf %add3A_225, %exp3A : vector<16xf32>
      %div3A = arith.constant 1.000000e+00 : f32
      %div3A_227 = vector.broadcast %div3A : f32 to vector<16xf32>
      %div3A_228 = arith.divf %div3A_227, %add3A_226 : vector<16xf32>
      %add3A_229 = arith.constant 384 : i32
      %add3A_230 = arith.addi %add3A_229, %mul3A_193 : i32
      %swap3A = arith.index_cast %add3A_230 : i32 to index
      %swap3A_231 = tpu.vector_load %arg14[%swap3A] {strides = array<i32>} : memref<512xf32, #tpu.memory_space<vmem>>, vector<16xf32>,
      tpu.vector_store %arg14[%swap3A], %div3A_228 {strides = array<i32>} : memref<512xf32, #tpu.memory_space<vmem>>, vector<16xf32>,
    }
    %scan3A_190 = arith.constant 8 : i32
    "tpu.region"() ({
      %run_scoped3A = tpu.sem_alloc : memref<!tpu.dma_semaphore, #tpu.memory_space<semaphore_mem>>
      %dma_start3A_191 = tpu.memref_slice %arg7[%mul3A_2] : memref<16384xf32, #tpu.memory_space<hbm>> -> memref<512xf32, #tpu.memory_space<hbm>>
      %dma_start3A_192 = tpu.memref_slice %arg7[%mul3A_2] : memref<16384xf32, #tpu.memory_space<hbm>> -> memref<512xf32, #tpu.memory_space<hbm>>
      tpu.enqueue_dma source(%arg14 : memref<512xf32, #tpu.memory_space<vmem>>) target(%dma_start3A_192 : memref<512xf32, #tpu.memory_space<hbm>>) target_semaphore(%run_scoped3A : memref<!tpu.dma_semaphore, #tpu.memory_space<semaphore_mem>>)
      %dma_wait3A_193 = tpu.memref_slice %arg7[%mul3A_2] : memref<16384xf32, #tpu.memory_space<hbm>> -> memref<512xf32, #tpu.memory_space<hbm>>
      %dma_wait3A_194 = tpu.memref_slice %arg7[%mul3A_2] : memref<16384xf32, #tpu.memory_space<hbm>> -> memref<512xf32, #tpu.memory_space<hbm>>
      tpu.wait_dma2 semaphore(%run_scoped3A : memref<!tpu.dma_semaphore, #tpu.memory_space<semaphore_mem>>) src(%arg14 : memref<512xf32, #tpu.memory_space<vmem>>) dst(%dma_wait3A_194 : memref<512xf32, #tpu.memory_space<hbm>>)
      tpu.yield
    }) : () -> ()
    return
  }
}

module attributes {stable_mosaic.version = 14 : i64} {
  func.func @_score_body(%arg0: i32, %arg1: memref<64x1xf32, #tpu.memory_space<vmem>>, %arg2: memref<64x32768xf32, #tpu.memory_space<vmem>>, %arg3: memref<256x128xf32, #tpu.memory_space<vmem>>) attributes {dimension_semantics = [#tpu.dimension_semantics<arbitrary>], iteration_bounds = array<i64: 4>, scalar_prefetch = 0 : i64, scratch_operands = 0 : i64, tpu.core_type = #tpu.core_type<tc>, window_params = [{pipeline_mode = #tpu.pipeline_mode<synchronous>, transform_indices = @transform_0, window_bounds = array<i64: 64, 1>}, {transform_indices = @transform_1, window_bounds = array<i64: 64, 32768>}, {transform_indices = @transform_2, window_bounds = array<i64: 256, 128>}]} {
    %get3A = arith.constant 0 : index
    %get3A_0 = arith.constant 0 : index
    %get3A_1 = vector.load %arg2[%get3A, %get3A_0] : memref<64x32768xf32, #tpu.memory_space<vmem>>, vector<64x32768xf32>
    %get3A_2 = arith.constant 0 : index
    %get3A_3 = arith.constant 0 : index
    %get3A_4 = vector.load %arg1[%get3A_2, %get3A_3] : memref<64x1xf32, #tpu.memory_space<vmem>>, vector<64x1xf32>
    %mul3A = vector.broadcast %get3A_4 : vector<64x1xf32> to vector<64x32768xf32>
    %mul3A_5 = arith.mulf %get3A_1, %mul3A : vector<64x32768xf32>
    %reduce_sum3A = arith.constant dense<0.000000e+00> : vector<32768xf32>
    %reduce_sum3A_6 = vector.multi_reduction <add>, %mul3A_5, %reduce_sum3A [0] : vector<64x32768xf32> to vector<32768xf32>
    %reshape3A = vector.shape_cast %reduce_sum3A_6 : vector<32768xf32> to vector<256x128xf32>
    %swap3A = arith.constant 0 : index
    %swap3A_7 = arith.constant 0 : index
    %swap3A_8 = vector.load %arg3[%swap3A, %swap3A_7] : memref<256x128xf32, #tpu.memory_space<vmem>>, vector<256x128xf32>
    tpu.vector_store %arg3[%swap3A, %swap3A_7], %reshape3A {strides = array<i32>} : memref<256x128xf32, #tpu.memory_space<vmem>>, vector<256x128xf32>,
    return
  }
  func.func @transform_0(%arg0: i32) -> (i32, i32) {
    %c0_i32 = arith.constant 0 : i32
    %c0_i32_0 = arith.constant 0 : i32
    %c0_i32_1 = arith.constant 0 : i32
    return %c0_i32, %c0_i32_0 : i32, i32
  }
  func.func @transform_1(%arg0: i32) -> (i32, i32) {
    %c0_i32 = arith.constant 0 : i32
    %c0_i32_0 = arith.constant 0 : i32
    return %c0_i32, %arg0 : i32, i32
  }
  func.func @transform_2(%arg0: i32) -> (i32, i32) {
    %c0_i32 = arith.constant 0 : i32
    %c0_i32_0 = arith.constant 0 : i32
    return %arg0, %c0_i32 : i32, i32
  }
}

module attributes {stable_mosaic.version = 14 : i64} {
  func.func @_score_body(%arg0: i32, %arg1: memref<64x1xf32, #tpu.memory_space<vmem>>, %arg2: memref<64x32768xf32, #tpu.memory_space<vmem>>, %arg3: memref<256x128xf32, #tpu.memory_space<vmem>>) attributes {dimension_semantics = [#tpu.dimension_semantics<arbitrary>], iteration_bounds = array<i64: 31>, scalar_prefetch = 0 : i64, scratch_operands = 0 : i64, tpu.core_type = #tpu.core_type<tc>, window_params = [{pipeline_mode = #tpu.pipeline_mode<synchronous>, transform_indices = @transform_0, window_bounds = array<i64: 64, 1>}, {transform_indices = @transform_1, window_bounds = array<i64: 64, 32768>}, {transform_indices = @transform_2, window_bounds = array<i64: 256, 128>}]} {
    %get3A = arith.constant 0 : index
    %get3A_0 = arith.constant 0 : index
    %get3A_1 = vector.load %arg2[%get3A, %get3A_0] : memref<64x32768xf32, #tpu.memory_space<vmem>>, vector<64x32768xf32>
    %get3A_2 = arith.constant 0 : index
    %get3A_3 = arith.constant 0 : index
    %get3A_4 = vector.load %arg1[%get3A_2, %get3A_3] : memref<64x1xf32, #tpu.memory_space<vmem>>, vector<64x1xf32>
    %mul3A = vector.broadcast %get3A_4 : vector<64x1xf32> to vector<64x32768xf32>
    %mul3A_5 = arith.mulf %get3A_1, %mul3A : vector<64x32768xf32>
    %reduce_sum3A = arith.constant dense<0.000000e+00> : vector<32768xf32>
    %reduce_sum3A_6 = vector.multi_reduction <add>, %mul3A_5, %reduce_sum3A [0] : vector<64x32768xf32> to vector<32768xf32>
    %reshape3A = vector.shape_cast %reduce_sum3A_6 : vector<32768xf32> to vector<256x128xf32>
    %swap3A = arith.constant 0 : index
    %swap3A_7 = arith.constant 0 : index
    %swap3A_8 = vector.load %arg3[%swap3A, %swap3A_7] : memref<256x128xf32, #tpu.memory_space<vmem>>, vector<256x128xf32>
    tpu.vector_store %arg3[%swap3A, %swap3A_7], %reshape3A {strides = array<i32>} : memref<256x128xf32, #tpu.memory_space<vmem>>, vector<256x128xf32>,
    return
  }
  func.func @transform_0(%arg0: i32) -> (i32, i32) {
    %c0_i32 = arith.constant 0 : i32
    %c0_i32_0 = arith.constant 0 : i32
    %c0_i32_1 = arith.constant 0 : i32
    return %c0_i32, %c0_i32_0 : i32, i32
  }
  func.func @transform_1(%arg0: i32) -> (i32, i32) {
    %c0_i32 = arith.constant 0 : i32
    %c0_i32_0 = arith.constant 0 : i32
    return %c0_i32, %arg0 : i32, i32
  }
  func.func @transform_2(%arg0: i32) -> (i32, i32) {
    %c0_i32 = arith.constant 0 : i32
    %c0_i32_0 = arith.constant 0 : i32
    return %arg0, %c0_i32 : i32, i32
  }
}

</mosaic_0001>

<sc_bundles>
// kernel: kernel.5.cloned.1.call-start
scs
__scs_entry_jumppad:
0x0: {  	(pc) =	sbr.rel $0x88, $3  }
0x1: {  	(tag) =	ssettag $0x0;
	lr =	simm.s32 $0x1  }
0x2: {  	[smem:$0x3F9B] =	sst lr;
	_ =	strace $0xD0000000  }
0x3: {  	_ = 	snop  }
0x4: {  	_ = 	snop  }
0x5: {  	_ = 	snop  }
0x6: {  	_ = 	snop  }
0x7: {  	_ = 	snop  }
__scs_overlays_trampoline_lowered:
0x8: {  	[smem:$0x3FAA] =	sst s0  }
0x9: {  	[smem:$0x3FAB] =	sst s1  }
0xa: {  	[smem:$0x3FAC] =	sst s2  }
0xb: {  	[smem:$0x3FAD] =	sst s3  }
0xc: {  	[smem:$0x3FAE] =	sst s4  }
0xd: {  	[smem:$0x3FAF] =	sst s5  }
0xe: {  	[smem:$0x3FB0] =	sst s6  }
0xf: {  	[smem:$0x3FB1] =	sst s7  }
0x10: {  	[smem:$0x3FB2] =	sst s8  }
0x11: {  	[smem:$0x3FB3] =	sst s9;
	s0 =	simm.s32 @!p0 $0x0  }
0x12: {  	s1 =	sld [smem:$0x3F99];
	s0 =	simm.s32 @p0 $0x1  }
0x13: {  	[smem:$0x3FB4] =	sst s0;
	s0 =	simm.s32 @!p1 $0x0  }
0x14: {  	s2 =	sld [smem:$0x3F98];
	s0 =	simm.s32 @p1 $0x1  }
0x15: {  	[smem:$0x3FB5] =	sst s0;
	s0 =	simm.s32 @!p2 $0x0  }
0x16: {  	s3 =	sld [smem:$0x3FDB];
	s0 =	simm.s32 @p2 $0x1  }
0x17: {  	s4 =	simm.s32 $0x1BF5;
	[smem:$0x3FB7] =	sst s0  }
0x18: {  	s0 =	sld [smem:$0x3F9A];
	_ =	swait.ge [sflag:s4], $0x0  }
0x19: {  	s7 =	sld [smem:$0x3F9B]  }
0x1a: {  	s8 =	sadd.s32 $0xFFFFE003, lr  }
0x1b: {  	s9 =	sadd.s32 $0xFFFFFEF7, lr;
	s5 =	simm.s32 $0xFFFFFFFF;
	p2 =	slt.u32 s8, $0xFFFFF086  }
0x1c: {  	p1 =	slt.u32 s9, $0xF7A;
	s5 =	simm.s32 @!p2 $0x0  }
0x1d: {  	s5 =	simm.s32 @p1 $0x1;
	p0 =	seq.s32 s7, s2  }
0x1e: {  	s7 =	smul.u32 @!p0 $0xF7A, s2;
	p2 =	seq.s32 @!p0 s5, $0x0  }
0x1f: {  	s9 =	smul.u32 $0xF7A, s1;
	s8 =	simm.s32 @!p0 $0x1BF5;
	p2 =	por !p2, p0  }
0x20: {  	[sflag:s8] =	ssyncset.s32 @!p0 $0xFFFFF086;
	s6 =	sadd.s32 @!p0 s3, s7;
	s7 =	simm.s32 @!p0 $0x108  }
0x21: {  	s3 =	sadd.s32 s3, s9;
	s6 =	sadd.s32 @!p0 $0x88, s6;
	s7 =	simm.s32 @p2 $0x1082  }
0x22: {  	[simem:s7], [sflag:s8] =	dma.local @!p0 [hbm:s6], $0xF7A  }
0x23: {  	s9 =	sor.u32 $0xD0000000, s2;
	s6 =	simm.s32 $0x108;
	_ =	swait.ge @!p0 [sflag:s8], $0x0  }
0x24: {  	s3 =	sadd.s32 $0x88, s3;
	s6 =	simm.s32 @!p1 $0x1082;
	[sflag:s4] =	ssyncset.s32 $0xFFFFF086  }
0x25: {  	[simem:s6], [sflag:s4] =	dma.local [hbm:s3], $0xF7A  }
0x26: {  	[smem:$0x3F9B] =	sst s1;
	(tag) =	ssettag s2;
	_ =	strace s9  }
0x27: {  	s1 =	sld [smem:$0x3FAB]  }
0x28: {  	s2 =	sld [smem:$0x3FAC]  }
0x29: {  	s4 =	sld [smem:$0x3FAE]  }
0x2a: {  	p0 =	seq.s32 s5, $0x0;
	s5 =	sld [smem:$0x3FAF]  }
0x2b: {  	s6 =	sld [smem:$0x3FB0]  }
0x2c: {  	s7 =	sld [smem:$0x3FB1]  }
0x2d: {  	s3 =	simm.s32 $0x108;
	s8 =	sld [smem:$0x3FB2]  }
0x2e: {  	s3 =	simm.s32 @!p0 $0x1082;
	s9 =	sld [smem:$0x3FB3]  }
0x2f: {  	lr =	sadd.s32 s0, s3;
	s0 =	sld [smem:$0x3FAA]  }
0x30: {  	s3 =	sld [smem:$0x3FAD]  }
0x31: {  	[smem:$0x3FB6] =	sst s10  }
0x32: {  	s10 =	sld [smem:$0x3FB4];
	_ =	sdelay $0x3  }
0x33: {  	p0 =	seq.s32 s10, $0x1;
	s10 =	sld [smem:$0x3FB6];
	_ =	sdelay $0x3  }
0x34: {  	[smem:$0x3FB6] =	sst s10  }
0x35: {  	s10 =	sld [smem:$0x3FB5];
	_ =	sdelay $0x3  }
0x36: {  	p1 =	seq.s32 s10, $0x1;
	s10 =	sld [smem:$0x3FB6];
	_ =	sdelay $0x3  }
0x37: {  	[smem:$0x3FB6] =	sst s10  }
0x38: {  	s10 =	sld [smem:$0x3FB7]  }
0x39: {  	_ = 	snop;
	(pc) =	sbr.ind lr, $3  }
0x3a: {  	_ = 	snop  }
0x3b: {  	_ = 	snop  }
0x3c: {  	p2 =	seq.s32 s10, $0x1;
	s10 =	sld [smem:$0x3FB6]  }
0x3d: {  	_ =	shalt  }
0x3e: {  	_ =	shalt  }
0x3f: {  	_ =	shalt  }
0x40: {  	_ =	shalt  }
0x41: {  	_ =	shalt  }
0x42: {  	_ =	shalt  }
0x43: {  	_ =	shalt  }
0x44: {  	_ =	shalt  }
0x45: {  	_ =	shalt  }
0x46: {  	_ =	shalt  }
0x47: {  	_ =	shalt  }
0x48: {  	_ =	shalt  }
0x49: {  	_ =	shalt  }
0x4a: {  	_ =	shalt  }
0x4b: {  	_ =	shalt  }
0x4c: {  	_ =	shalt  }
0x4d: {  	_ =	shalt  }
0x4e: {  	_ =	shalt  }
0x4f: {  	_ =	shalt  }
0x50: {  	_ =	shalt  }
0x51: {  	_ =	shalt  }
0x52: {  	_ =	shalt  }
0x53: {  	_ =	shalt  }
0x54: {  	_ =	shalt  }
0x55: {  	_ =	shalt  }
0x56: {  	_ =	shalt  }
0x57: {  	_ =	shalt  }
0x58: {  	_ =	shalt  }
0x59: {  	_ =	shalt  }
0x5a: {  	_ =	shalt  }
0x5b: {  	_ =	shalt  }
0x5c: {  	_ =	shalt  }
0x5d: {  	_ =	shalt  }
0x5e: {  	_ =	shalt  }
0x5f: {  	_ =	shalt  }
0x60: {  	_ =	shalt  }
0x61: {  	_ =	shalt  }
0x62: {  	_ =	shalt  }
0x63: {  	_ =	shalt  }
0x64: {  	_ =	shalt  }
0x65: {  	_ =	shalt  }
0x66: {  	_ =	shalt  }
0x67: {  	_ =	shalt  }
0x68: {  	_ =	shalt  }
0x69: {  	_ =	shalt  }
0x6a: {  	_ =	shalt  }
0x6b: {  	_ =	shalt  }
0x6c: {  	_ =	shalt  }
0x6d: {  	_ =	shalt  }
0x6e: {  	_ =	shalt  }
0x6f: {  	_ =	shalt  }
0x70: {  	_ =	shalt  }
0x71: {  	_ =	shalt  }
0x72: {  	_ =	shalt  }
0x73: {  	_ =	shalt  }
0x74: {  	_ =	shalt  }
0x75: {  	_ =	shalt  }
0x76: {  	_ =	shalt  }
0x77: {  	_ =	shalt  }
0x78: {  	_ =	shalt  }
0x79: {  	_ =	shalt  }
0x7a: {  	_ =	shalt  }
0x7b: {  	_ =	shalt  }
0x7c: {  	_ =	shalt  }
0x7d: {  	_ =	shalt  }
0x7e: {  	_ =	shalt  }
0x7f: {  	_ =	shalt  }
0x80: {  	_ =	shalt  }
0x81: {  	_ =	shalt  }
0x82: {  	_ =	shalt  }
0x83: {  	_ =	shalt  }
0x84: {  	_ =	shalt  }
0x85: {  	_ =	shalt  }
0x86: {  	_ =	shalt  }
0x87: {  	_ =	shalt  }
.Lfunc_end0:
.L_simem_size_0:
called_computation_lowered:
.L_overlay_start_0:
0x88: {  	s2 =	sld [smem:$0x3FD9]  }
0x89: {  	s3 =	sld [smem:$0x3FFE];
	_ =	sdelay $0x1  }
0x8a: {  	s1 =	srdreg.scid  }
0x8b: {  	s0 =	sand.u32 $0x1, s1  }
0x8c: {  	s17 =	sshll.u32 s0, $0xA;
	s2 =	sadd.s32 s3, s2  }
0x8d: {  	s2 =	sadd.s32 s2, s17  }
0x8e: {  	[smem:$0x3FC2] =	sst s2  }
0x8f: {  	_ = 	snop  }
0x90: {  	s2 =	sld [smem:$0x3FC9]  }
0x91: {  	s18 =	sld [smem:$0x3FC8]  }
0x92: {  	s4 =	sld [smem:$0x3FD0];
	(tm) =	ssettm $0x1  }
0x93: {  	s5 =	sld [smem:$0x3FFB];
	_ =	sdelay $0x3  }
0x94: {  	_ =	strace s5  }
0x95: {  	s5 =	sld [smem:$0x3FFC];
	_ =	sdelay $0x3  }
0x96: {  	_ =	strace s5  }
0x97: {  	s5 =	sld [smem:$0x3FFD];
	_ =	sdelay $0x3  }
0x98: {  	_ =	strace s5  }
0x99: {  	_ =	strace $0x8FFFFFFF  }
0x9a: {  	s19 =	sld [smem:$0x3FDB];
	_ =	sdelay $0x1  }
0x9b: {  	s6 =	simm.s32 $_scs_section_size  }
0x9c: {  	s7 =	simm.s32 $_size__tile_overlayer_lowered;
	s8 =	simm.s32 $_tile_overlayer_lowered  }
0x9d: {  	s22 =	simm.s32 $0x1BFF;
	s21 =	sshll.u32 s8, $0x1;
	s5 =	sadd.s32 s6, s19  }
0x9e: {  	s9 =	simm.s32 $0x0;
	s20 =	sshll.u32 s7, $0x1;
	s7 =	sadd.s32 s21, s5  }
0x9f: {  	[timem:s9], [sflag:s22] =	dma.local [hbm:s7], s20  }
0xa0: {  	_ =	swait.ge [sflag:s22], s20  }
0xa1: {  	s6 =	ssub.s32 $0x0, s20;
	[sflag:s22] =	ssyncset.done $0x0  }
0xa2: {  	[sflag:s22] =	ssyncadd.s32 s6;
	_ =	sdelay $0x1  }
0xa3: {  	s23 =	simm.s32 $0x1B8B  }
0xa4: {  	_ =	swait.ge [sflag:s23], $0x1  }
0xa5: {  	[sflag:s23] =	ssyncset.done $0x0  }
0xa6: {  	s25 =	simm.s32 $0x1B8E;
	s24 =	sld [smem:$0x3FFE];
	[sflag:s23] =	ssyncadd.s32 $0xFFFFFFFF  }
0xa7: {  	s26 =	simm.s32 $execute0_lowered;
	[smem:$0x3FD2] =	sst s25  }
0xa8: {  	s7 =	sshll.u32 s26, $0x1;
	_ =	strace $0x80000046;
	[dreg:$0x1] =	wrdreg $0xFFFFFFFF  }
0xa9: {  	s28 =	simm.s32 $_size_execute0_lowered;
	s5 =	sadd.s32 s5, s7;
	[dreg:$0x0] =	wrdreg $0x0  }
0xaa: {  	s7 =	sshll.u32 s28, $0x1;
	[dreg:$0x2] =	wrdreg s5  }
0xab: {  	[dreg:$0x3] =	wrdreg s7  }
0xac: {  	[dreg:$0x4] =	wrdreg $0xC0  }
0xad: {  	_ =	task [dreg:s9], $0x5FFFF  }
0xae: {  	[dreg:$0x1] =	wrdreg $0xFFFFFFFF  }
0xaf: {  	[dreg:$0x0] =	wrdreg $0x60  }
0xb0: {  	[dreg:$0x2] =	wrdreg s2  }
0xb1: {  	[dreg:$0x3] =	wrdreg s18  }
0xb2: {  	[dreg:$0x4] =	wrdreg s24  }
0xb3: {  	[dreg:$0x5] =	wrdreg s4  }
0xb4: {  	[dreg:$0x6] =	wrdreg $0x9  }
0xb5: {  	_ =	task.clear_ibuf [dreg:s9], $0x7FFFF;
	_ =	strace $0x90000046  }
0xb6: {  	s29 =	simm.s32 $0x9;
	_ =	strace $0x80000048  }
0xb7: {  	_ =	swait.ge [sflag:s29], $0x1  }
0xb8: {  	[sflag:s29] =	ssyncadd.s32 $0xFFFFFFFF  }
0xb9: {  	_ =	strace $0x90000048  }
0xba: {  	_ =	sfence  }
0xbb: {  	s30 =	sld [smem:$0x0];
	_ =	sdelay $0x2  }
0xbc: {  	s31 =	sshll.u32 s1, $0xD;
	s1 =	sshrl.u32 s1, $0x2  }
0xbd: {  	s3 =	sand.u32 $0x4000, s31;
	s1 =	sadd.s32 s1, s30  }
0xbe: {  	s0 =	sor.u32 s3, s0;
	s1 =	sshll.u32 s1, $0x11  }
0xbf: {  	s0 =	sor.u32 s1, s0  }
0xc0: {  	s0 =	sadd.s32 $0x8F2B, s0  }
0xc1: {  	[sflag:s0] =	ssyncadd.remote.s32 $0x1  }
0xc2: {  	_ =	sfence.sel $0xFFFF  }
0xc3: {  	[dreg:$0x0] =	wrdreg $0xFFFFFFFF;
	(pc) =	sbr.abs _section_cstart, $3  }
0xc4: {  	[dreg:$0x1] =	wrdreg $0xFFFFFFFF  }
0xc5: {  	_ =	task.clear_ibuf [dreg:s9], $0x2FFFF;
	_ =	strace $0x9FFFFFFF  }
0xc6: {  	(tm) =	ssettm $0x7FFFFFFF  }
0xc7: {  	_ =	shalt  }
tec
execute0_lowered:
.L_overlay_start_1:
0x0: {  	(tag) =	ssettag $0x1  }
0x1: {  	s0 =	rddreg [dreg:$0x0]  }
0x2: {  	s2 =	rddreg [dreg:$0x1]  }
0x3: {  	s5 =	rddreg [dreg:$0x2]  }
0x4: {  	s8 =	rddreg [dreg:$0x3];
	s1 =	simm.s32 $0x0  }
0x5: {  	s4 =	srdreg.scid;
	s10 =	stileid.u32;
	s13 =	simm.s32 $0x80  }
0x6: {  	s14 =	simm.s32 $0x400;
	s15 =	simm.s32 $0x800;
	s16 =	simm.s32 $0x600  }
0x7: {  	s17 =	simm.s32 $0x8800;
	s18 =	simm.s32 $0x480;
	s19 =	simm.s32 $0x4800  }
0x8: {  	s20 =	simm.s32 $0x680;
	s21 =	simm.s32 $0xC800;
	s22 =	simm.s32 $0x1  }
0x9: {  	s23 =	simm.s32 $0x2;
	s24 =	simm.s32 $0x500;
	s25 =	simm.s32 $0x700  }
0xa: {  	s26 =	simm.s32 $0x580;
	s28 =	simm.s32 $0x780;
	s29 =	simm.s32 $0x10800  }
0xb: {  	s30 =	simm.s32 $0x0;
	[smem:$0x7FF] =	sst s1;
	s3 =	sadd.s32 $0x4A00, s5  }
0xc: {  	s6 =	sand.u32 $0x1, s4;
	s4 =	sadd.s32 $0xA00, s5;
	s10 =	sshll.u32 s10, $0x7  }
0xd: {  	s5 =	sadd.s32 $0x23A00, s5;
	s7 =	ssub.s32 $0x2, s6;
	s6 =	sshll.u32 s6, $0x6  }
0xe: {  	_ =	strace $0x80000047;
	s9 =	sshrl.u32 s7, $0x1;
	s10 =	sor.u32 s6, s10  }
0xf: {  	v0 =	vlaneseq.u32;
	s9 =	ssub.s32 s7, s9;
	s6 =	sadd.s32 s0, s10;
	s7 =	sadd.s32 s2, s10  }
0x10: {  	v0 =	vmul.u32 $0x80, v0;
	s8 =	sadd.s32 s8, s10;
	s10 =	simm.s32 $0x3;
	s9 =	smax.u32 s9, $0x1  }
.LBB2_1:
0x11: {  	[tilespmem:s1], [sflag:$0x3] =	stream.linear.gather [hbm4b:s6+s1], $0x200, $0x38;
	[tilespmem:$0x10A80] =	vst v63  }
0x12: {  	_ =	swait.ge [sflag:s10], $0x200  }
0x13: {  	[sflag:s10] =	ssyncset.done $0x0  }
0x14: {  	s0 =	simm.s32 $0x200;
	[sflag:s10] =	ssyncadd.s32 $0xFFFFFE00  }
0x15: {  	[tilespmem:s0], [sflag:$0x3] =	stream.linear.gather [hbm4b:s7+s1], $0x200, $0x38;
	[tilespmem:$0x10A80] =	vst v63  }
0x16: {  	_ =	swait.ge [sflag:s10], $0x200  }
0x17: {  	[sflag:s10] =	ssyncset.done $0x0  }
0x18: {  	s31 =	simm.s32 $0x10A00;
	[sflag:s10] =	ssyncadd.s32 $0xFFFFFE00  }
0x19: {  	[tilespmem:s31], [sflag:$0x3] =	stream.linear.gather [hbm4b:s5+s1], $0x80, $0x38;
	[tilespmem:$0x10A80] =	vst v63  }
0x1a: {  	_ =	swait.ge [sflag:s10], $0x80  }
0x1b: {  	[sflag:s10] =	ssyncset.done $0x0  }
0x1c: {  	s0 =	simm.s32 $0x0;
	[sflag:s10] =	ssyncadd.s32 $0xFFFFFF80  }
0x1d: {  	v1 =	vld [tilespmem:s0+$0x200]  }
0x1e: {  	s2 =	simm.s32 $0x40;
	v2 =	vld [tilespmem:s0+$0x0]  }
.LBB2_2:
0x1f: {  	p0 =	sne.s32 s2, $0x7C0  }
.Ltmp0:
0x20: {  	_ = 	snop;
	(pc) =	sbr.rel @p0 .LBB2_2-.Ltmp0, $4  }
0x21: {  	_ = 	snop  }
0x22: {  	s11 =	sshra.s32 s2, $0x2;
	s2 =	sadd.s32 $0x40, s2;
	v3 =	vshrl.u32 v1, $0x7  }
0x23: {  	v1 =	vld [tilespmem:s11+$0x200];
	v4 =	vshrl.u32 v2, $0x7;
	[tilespmem:s0+$0x600] =	vst v3  }
0x24: {  	v2 =	vld [tilespmem:s11+$0x0];
	[tilespmem:s0+$0x400] =	vst v4;
	s0 =	smov.u32 s11  }
0x25: {  	_ =	sdelay $0x2  }
0x26: {  	v1 =	vshrl.u32 v1, $0x7  }
0x27: {  	v2 =	vshrl.u32 v2, $0x7;
	[tilespmem:s0+$0x600] =	vst v1  }
0x28: {  	[tilespmem:s0+$0x400] =	vst v2  }
0x29: {  	v1 =	vld [tilespmem:$0x10A00];
	[tilespmem:s15], [sflag:$0x1] =	stream.indirect.gather [hbm4b:s3+s13], $0x80, s14, s13, $0xb8  }
0x2a: {  	_ = 	snop  }
0x2b: {  	[tilespmem:s17], [sflag:$0x2] =	stream.indirect.gather [hbm4b:s4+s13], $0x80, s16, s13, $0xb8;
	[tilespmem:$0x10A80] =	vst v63  }
0x2c: {  	_ = 	snop  }
0x2d: {  	[tilespmem:s19], [sflag:$0x1] =	stream.indirect.gather [hbm4b:s3+s13], $0x80, s18, s13, $0xb8;
	[tilespmem:$0x10A80] =	vst v63  }
0x2e: {  	_ = 	snop  }
0x2f: {  	[tilespmem:s21], [sflag:$0x2] =	stream.indirect.gather [hbm4b:s4+s13], $0x80, s20, s13, $0xb8;
	[tilespmem:$0x10A80] =	vst v63  }
0x30: {  	_ =	swait.ge [sflag:s22], $0x4000  }
0x31: {  	[sflag:s22] =	ssyncset.done $0x0  }
0x32: {  	[sflag:s22] =	ssyncadd.s32 $0xFFFFC000  }
0x33: {  	_ =	swait.ge [sflag:s23], $0x4000  }
0x34: {  	[sflag:s23] =	ssyncset.done $0x0  }
0x35: {  	s12 =	simm.s32 $0x0;
	[sflag:s23] =	ssyncadd.s32 $0xFFFFC000  }
0x36: {  	s2 =	simm.s32 $0x200;
	v2 =	vld [tilespmem:s12+$0x0]  }
0x37: {  	v3 =	vld [tilespmem:s2+$0x0];
	_ =	sdelay $0x1  }
0x38: {  	v4 =	vmov s12  }
0x39: {  	v4 =	vshll.u32 v4, $0x7  }
0x3a: {  	v4 =	vor.u32 v0, v4;
	v2 =	vand.u32 $0x7F, v2  }
0x3b: {  	v3 =	vand.u32 $0x7F, v3;
	v2 =	vor.u32 v4, v2  }
0x3c: {  	v3 =	vor.u32 v4, v3;
	_ =	sdelay $0x3  }
0x3d: {  	v2 =	vld.idx.msk [tilespmem:v2+s15+$0x0], $0xffff  }
0x3e: {  	v3 =	vld.idx.msk [tilespmem:v3+s17+$0x0], $0xffff;
	_ =	sdelay $0x4  }
0x3f: {  	v2 =	vadd.f32 v3, v2;
	_ =	sdelay $0x1  }
0x40: {  	v2 =	vadd.f32 v2, v1;
	_ =	sdelay $0x1  }
0x41: {  	v2 =	vsub.f32 $0.0e+00, v2;
	_ =	sdelay $0x1  }
0x42: {  	v2 =	vmul.f32 $1.442695020e+00, v2;
	_ =	sdelay $0x1  }
0x43: {  	(erf) = vpow2.f32 v2;
	_ =	sdelay $0x8  }
0x44: {  	v2 =	vpop (erf)  }
0x45: {  	v2 =	vadd.f32 $1.000000000e+00, v2;
	_ =	sdelay $0x1  }
0x46: {  	(erf) = vrcp.f32 v2;
	_ =	sdelay $0x8  }
0x47: {  	s31 =	simm.s32 $0x10800;
	v2 =	vpop (erf)  }
0x48: {  	s0 =	simm.s32 $0x10;
	[tilespmem:s31+$0x0] =	vst v2  }
0x49: {  	s2 =	simm.s32 $0x210;
	v3 =	vld [tilespmem:s0+$0x0]  }
0x4a: {  	s11 =	simm.s32 $0x20;
	s12 =	simm.s32 $0x10;
	v2 =	vld [tilespmem:s2+$0x0]  }
.LBB2_4:
0x4b: {  	p0 =	sne.s32 s11, $0x70  }
0x4c: {  	v4 =	vmov s0;
	s0 =	smov.u32 s11  }
0x4d: {  	v4 =	vshll.u32 v4, $0x7  }
0x4e: {  	v4 =	vor.u32 v0, v4;
	v3 =	vand.u32 $0x7F, v3  }
0x4f: {  	v3 =	vor.u32 v4, v3;
	v2 =	vand.u32 $0x7F, v2  }
0x50: {  	v2 =	vor.u32 v4, v2;
	_ =	sdelay $0x3  }
0x51: {  	v3 =	vld.idx.msk [tilespmem:v3+s15+$0x0], $0xffff  }
0x52: {  	v2 =	vld.idx.msk [tilespmem:v2+s17+$0x0], $0xffff;
	_ =	sdelay $0x5  }
0x53: {  	v2 =	vadd.f32 v2, v3;
	_ =	sdelay $0x1  }
0x54: {  	v2 =	vadd.f32 v2, v1;
	_ =	sdelay $0x1  }
0x55: {  	v2 =	vsub.f32 $0.0e+00, v2;
	_ =	sdelay $0x1  }
0x56: {  	v2 =	vmul.f32 $1.442695020e+00, v2;
	_ =	sdelay $0x1  }
0x57: {  	(erf) = vpow2.f32 v2;
	_ =	sdelay $0x8  }
0x58: {  	v2 =	vpop (erf)  }
0x59: {  	v2 =	vadd.f32 $1.000000000e+00, v2;
	_ =	sdelay $0x1  }
0x5a: {  	(erf) = vrcp.f32 v2;
	_ =	sdelay $0x7  }
.Ltmp1:
0x5b: {  	(pc) =	sbr.rel @p0 .LBB2_4-.Ltmp1, $4  }
0x5c: {  	s31 =	sadd.s32 $0x10, s31;
	v2 =	vpop (erf)  }
0x5d: {  	s12 =	sadd.s32 $0x10, s12;
	[tilespmem:s31+$0x0] =	vst v2  }
0x5e: {  	s2 =	sadd.s32 $0x10, s2;
	v3 =	vld [tilespmem:s12+$0x0]  }
0x5f: {  	s11 =	sadd.s32 $0x10, s11;
	v2 =	vld [tilespmem:s2+$0x0]  }
0x60: {  	_ = 	snop  }
0x61: {  	v4 =	vmov s0  }
0x62: {  	v4 =	vshll.u32 v4, $0x7  }
0x63: {  	v4 =	vor.u32 v0, v4;
	v3 =	vand.u32 $0x7F, v3  }
0x64: {  	v3 =	vor.u32 v4, v3;
	v2 =	vand.u32 $0x7F, v2  }
0x65: {  	v2 =	vor.u32 v4, v2;
	_ =	sdelay $0x3  }
0x66: {  	v3 =	vld.idx.msk [tilespmem:v3+s15+$0x0], $0xffff  }
0x67: {  	v2 =	vld.idx.msk [tilespmem:v2+s17+$0x0], $0xffff;
	_ =	sdelay $0x4  }
0x68: {  	v2 =	vadd.f32 v2, v3;
	_ =	sdelay $0x1  }
0x69: {  	v2 =	vadd.f32 v2, v1;
	_ =	sdelay $0x1  }
0x6a: {  	v2 =	vsub.f32 $0.0e+00, v2;
	_ =	sdelay $0x1  }
0x6b: {  	v2 =	vmul.f32 $1.442695020e+00, v2;
	_ =	sdelay $0x1  }
0x6c: {  	(erf) = vpow2.f32 v2;
	_ =	sdelay $0x8  }
0x6d: {  	v2 =	vpop (erf)  }
0x6e: {  	v2 =	vadd.f32 $1.000000000e+00, v2;
	_ =	sdelay $0x1  }
0x6f: {  	(erf) = vrcp.f32 v2;
	_ =	sdelay $0x8  }
0x70: {  	s2 =	sadd.s32 $0x10, s31;
	v2 =	vpop (erf)  }
0x71: {  	s11 =	simm.s32 $0x80;
	[tilespmem:s2+$0x0] =	vst v2  }
0x72: {  	[tilespmem:s15], [sflag:$0x1] =	stream.indirect.gather [hbm4b:s3+s11], $0x80, s24, s11, $0xb8;
	[tilespmem:$0x10A80] =	vst v63  }
0x73: {  	_ = 	snop  }
0x74: {  	[tilespmem:s17], [sflag:$0x2] =	stream.indirect.gather [hbm4b:s4+s11], $0x80, s25, s11, $0xb8;
	[tilespmem:$0x10A80] =	vst v63  }
0x75: {  	_ =	swait.ge [sflag:s22], $0x4000  }
0x76: {  	[sflag:s22] =	ssyncset.done $0x0  }
0x77: {  	[sflag:s22] =	ssyncadd.s32 $0xFFFFC000  }
0x78: {  	_ =	swait.ge [sflag:s23], $0x4000  }
0x79: {  	[sflag:s23] =	ssyncset.done $0x0  }
0x7a: {  	[sflag:s23] =	ssyncadd.s32 $0xFFFFC000  }
0x7b: {  	s2 =	simm.s32 $0x280;
	v2 =	vld [tilespmem:s11+$0x0]  }
0x7c: {  	v3 =	vld [tilespmem:s2+$0x0]  }
0x7d: {  	s12 =	simm.s32 $0x0  }
0x7e: {  	v4 =	vmov s12  }
0x7f: {  	v4 =	vshll.u32 v4, $0x7  }
0x80: {  	v4 =	vor.u32 v0, v4;
	v2 =	vand.u32 $0x7F, v2  }
0x81: {  	v3 =	vand.u32 $0x7F, v3;
	v2 =	vor.u32 v4, v2  }
0x82: {  	v3 =	vor.u32 v4, v3;
	_ =	sdelay $0x3  }
0x83: {  	v2 =	vld.idx.msk [tilespmem:v2+s19+$0x0], $0xffff  }
0x84: {  	v3 =	vld.idx.msk [tilespmem:v3+s21+$0x0], $0xffff;
	_ =	sdelay $0x4  }
0x85: {  	v2 =	vadd.f32 v3, v2;
	_ =	sdelay $0x1  }
0x86: {  	v2 =	vadd.f32 v2, v1;
	_ =	sdelay $0x1  }
0x87: {  	v2 =	vsub.f32 $0.0e+00, v2;
	_ =	sdelay $0x1  }
0x88: {  	v2 =	vmul.f32 $1.442695020e+00, v2;
	_ =	sdelay $0x1  }
0x89: {  	(erf) = vpow2.f32 v2;
	_ =	sdelay $0x8  }
0x8a: {  	v2 =	vpop (erf)  }
0x8b: {  	v2 =	vadd.f32 $1.000000000e+00, v2;
	_ =	sdelay $0x1  }
0x8c: {  	(erf) = vrcp.f32 v2;
	_ =	sdelay $0x8  }
0x8d: {  	s31 =	simm.s32 $0x10880;
	v2 =	vpop (erf)  }
0x8e: {  	s0 =	simm.s32 $0x90;
	[tilespmem:s31+$0x0] =	vst v2  }
0x8f: {  	s2 =	simm.s32 $0x290;
	v3 =	vld [tilespmem:s0+$0x0]  }
0x90: {  	s12 =	simm.s32 $0x20;
	s11 =	simm.s32 $0x10;
	v2 =	vld [tilespmem:s2+$0x0]  }
.LBB2_6:
0x91: {  	p0 =	sne.s32 s12, $0x70  }
0x92: {  	v4 =	vmov s11;
	s11 =	smov.u32 s12  }
0x93: {  	v4 =	vshll.u32 v4, $0x7  }
0x94: {  	v4 =	vor.u32 v0, v4;
	v3 =	vand.u32 $0x7F, v3  }
0x95: {  	v3 =	vor.u32 v4, v3;
	v2 =	vand.u32 $0x7F, v2  }
0x96: {  	v2 =	vor.u32 v4, v2;
	_ =	sdelay $0x3  }
0x97: {  	v3 =	vld.idx.msk [tilespmem:v3+s19+$0x0], $0xffff  }
0x98: {  	v2 =	vld.idx.msk [tilespmem:v2+s21+$0x0], $0xffff;
	_ =	sdelay $0x5  }
0x99: {  	v2 =	vadd.f32 v2, v3;
	_ =	sdelay $0x1  }
0x9a: {  	v2 =	vadd.f32 v2, v1;
	_ =	sdelay $0x1  }
0x9b: {  	v2 =	vsub.f32 $0.0e+00, v2;
	_ =	sdelay $0x1  }
0x9c: {  	v2 =	vmul.f32 $1.442695020e+00, v2;
	_ =	sdelay $0x1  }
0x9d: {  	(erf) = vpow2.f32 v2;
	_ =	sdelay $0x8  }
0x9e: {  	v2 =	vpop (erf)  }
0x9f: {  	v2 =	vadd.f32 $1.000000000e+00, v2;
	_ =	sdelay $0x1  }
0xa0: {  	(erf) = vrcp.f32 v2;
	_ =	sdelay $0x7  }
.Ltmp2:
0xa1: {  	(pc) =	sbr.rel @p0 .LBB2_6-.Ltmp2, $4  }
0xa2: {  	s31 =	sadd.s32 $0x10, s31;
	v2 =	vpop (erf)  }
0xa3: {  	s0 =	sadd.s32 $0x10, s0;
	[tilespmem:s31+$0x0] =	vst v2  }
0xa4: {  	s2 =	sadd.s32 $0x10, s2;
	v3 =	vld [tilespmem:s0+$0x0]  }
0xa5: {  	s12 =	sadd.s32 $0x10, s12;
	v2 =	vld [tilespmem:s2+$0x0]  }
0xa6: {  	_ = 	snop  }
0xa7: {  	v4 =	vmov s11  }
0xa8: {  	v4 =	vshll.u32 v4, $0x7  }
0xa9: {  	v4 =	vor.u32 v0, v4;
	v3 =	vand.u32 $0x7F, v3  }
0xaa: {  	v3 =	vor.u32 v4, v3;
	v2 =	vand.u32 $0x7F, v2  }
0xab: {  	v2 =	vor.u32 v4, v2;
	_ =	sdelay $0x3  }
0xac: {  	v3 =	vld.idx.msk [tilespmem:v3+s19+$0x0], $0xffff  }
0xad: {  	v2 =	vld.idx.msk [tilespmem:v2+s21+$0x0], $0xffff;
	_ =	sdelay $0x4  }
0xae: {  	v2 =	vadd.f32 v2, v3;
	_ =	sdelay $0x1  }
0xaf: {  	v2 =	vadd.f32 v2, v1;
	_ =	sdelay $0x1  }
0xb0: {  	v2 =	vsub.f32 $0.0e+00, v2;
	_ =	sdelay $0x1  }
0xb1: {  	v2 =	vmul.f32 $1.442695020e+00, v2;
	_ =	sdelay $0x1  }
0xb2: {  	(erf) = vpow2.f32 v2;
	_ =	sdelay $0x8  }
0xb3: {  	v2 =	vpop (erf)  }
0xb4: {  	v2 =	vadd.f32 $1.000000000e+00, v2;
	_ =	sdelay $0x1  }
0xb5: {  	(erf) = vrcp.f32 v2;
	_ =	sdelay $0x8  }
0xb6: {  	s0 =	sadd.s32 $0x10, s31;
	v2 =	vpop (erf)  }
0xb7: {  	[tilespmem:s0+$0x0] =	vst v2  }
0xb8: {  	[tilespmem:s19], [sflag:$0x1] =	stream.indirect.gather [hbm4b:s3+s13], $0x80, s26, s13, $0xb8;
	[tilespmem:$0x10A80] =	vst v63  }
0xb9: {  	_ = 	snop  }
0xba: {  	[tilespmem:s21], [sflag:$0x2] =	stream.indirect.gather [hbm4b:s4+s13], $0x80, s28, s13, $0xb8;
	[tilespmem:$0x10A80] =	vst v63  }
0xbb: {  	_ =	swait.ge [sflag:s22], $0x4000  }
0xbc: {  	[sflag:s22] =	ssyncset.done $0x0  }
0xbd: {  	[sflag:s22] =	ssyncadd.s32 $0xFFFFC000  }
0xbe: {  	_ =	swait.ge [sflag:s23], $0x4000  }
0xbf: {  	[sflag:s23] =	ssyncset.done $0x0  }
0xc0: {  	s11 =	simm.s32 $0x100;
	[sflag:s23] =	ssyncadd.s32 $0xFFFFC000  }
0xc1: {  	s2 =	simm.s32 $0x300;
	v2 =	vld [tilespmem:s11+$0x0]  }
0xc2: {  	v3 =	vld [tilespmem:s2+$0x0]  }
0xc3: {  	s12 =	simm.s32 $0x0  }
0xc4: {  	v4 =	vmov s12  }
0xc5: {  	v4 =	vshll.u32 v4, $0x7  }
0xc6: {  	v4 =	vor.u32 v0, v4;
	v2 =	vand.u32 $0x7F, v2  }
0xc7: {  	v3 =	vand.u32 $0x7F, v3;
	v2 =	vor.u32 v4, v2  }
0xc8: {  	v3 =	vor.u32 v4, v3;
	_ =	sdelay $0x3  }
0xc9: {  	v2 =	vld.idx.msk [tilespmem:v2+s15+$0x0], $0xffff  }
0xca: {  	v3 =	vld.idx.msk [tilespmem:v3+s17+$0x0], $0xffff;
	_ =	sdelay $0x4  }
0xcb: {  	v2 =	vadd.f32 v3, v2;
	_ =	sdelay $0x1  }
0xcc: {  	v2 =	vadd.f32 v2, v1;
	_ =	sdelay $0x1  }
0xcd: {  	v2 =	vsub.f32 $0.0e+00, v2;
	_ =	sdelay $0x1  }
0xce: {  	v2 =	vmul.f32 $1.442695020e+00, v2;
	_ =	sdelay $0x1  }
0xcf: {  	(erf) = vpow2.f32 v2;
	_ =	sdelay $0x8  }
0xd0: {  	v2 =	vpop (erf)  }
0xd1: {  	v2 =	vadd.f32 $1.000000000e+00, v2;
	_ =	sdelay $0x1  }
0xd2: {  	(erf) = vrcp.f32 v2;
	_ =	sdelay $0x8  }
0xd3: {  	s31 =	simm.s32 $0x10900;
	v2 =	vpop (erf)  }
0xd4: {  	s0 =	simm.s32 $0x110;
	[tilespmem:s31+$0x0] =	vst v2  }
0xd5: {  	s2 =	simm.s32 $0x310;
	v3 =	vld [tilespmem:s0+$0x0]  }
0xd6: {  	s12 =	simm.s32 $0x20;
	s11 =	simm.s32 $0x10;
	v2 =	vld [tilespmem:s2+$0x0]  }
.LBB2_8:
0xd7: {  	p0 =	sne.s32 s12, $0x70  }
0xd8: {  	v4 =	vmov s11;
	s11 =	smov.u32 s12  }
0xd9: {  	v4 =	vshll.u32 v4, $0x7  }
0xda: {  	v4 =	vor.u32 v0, v4;
	v3 =	vand.u32 $0x7F, v3  }
0xdb: {  	v3 =	vor.u32 v4, v3;
	v2 =	vand.u32 $0x7F, v2  }
0xdc: {  	v2 =	vor.u32 v4, v2;
	_ =	sdelay $0x3  }
0xdd: {  	v3 =	vld.idx.msk [tilespmem:v3+s15+$0x0], $0xffff  }
0xde: {  	v2 =	vld.idx.msk [tilespmem:v2+s17+$0x0], $0xffff;
	_ =	sdelay $0x5  }
0xdf: {  	v2 =	vadd.f32 v2, v3;
	_ =	sdelay $0x1  }
0xe0: {  	v2 =	vadd.f32 v2, v1;
	_ =	sdelay $0x1  }
0xe1: {  	v2 =	vsub.f32 $0.0e+00, v2;
	_ =	sdelay $0x1  }
0xe2: {  	v2 =	vmul.f32 $1.442695020e+00, v2;
	_ =	sdelay $0x1  }
0xe3: {  	(erf) = vpow2.f32 v2;
	_ =	sdelay $0x8  }
0xe4: {  	v2 =	vpop (erf)  }
0xe5: {  	v2 =	vadd.f32 $1.000000000e+00, v2;
	_ =	sdelay $0x1  }
0xe6: {  	(erf) = vrcp.f32 v2;
	_ =	sdelay $0x7  }
.Ltmp3:
0xe7: {  	(pc) =	sbr.rel @p0 .LBB2_8-.Ltmp3, $4  }
0xe8: {  	s31 =	sadd.s32 $0x10, s31;
	v2 =	vpop (erf)  }
0xe9: {  	s0 =	sadd.s32 $0x10, s0;
	[tilespmem:s31+$0x0] =	vst v2  }
0xea: {  	s2 =	sadd.s32 $0x10, s2;
	v3 =	vld [tilespmem:s0+$0x0]  }
0xeb: {  	s12 =	sadd.s32 $0x10, s12;
	v2 =	vld [tilespmem:s2+$0x0]  }
0xec: {  	_ = 	snop  }
0xed: {  	v4 =	vmov s11  }
0xee: {  	v4 =	vshll.u32 v4, $0x7  }
0xef: {  	v4 =	vor.u32 v0, v4;
	v3 =	vand.u32 $0x7F, v3  }
0xf0: {  	v3 =	vor.u32 v4, v3;
	v2 =	vand.u32 $0x7F, v2  }
0xf1: {  	v2 =	vor.u32 v4, v2;
	_ =	sdelay $0x3  }
0xf2: {  	v3 =	vld.idx.msk [tilespmem:v3+s15+$0x0], $0xffff  }
0xf3: {  	v2 =	vld.idx.msk [tilespmem:v2+s17+$0x0], $0xffff;
	_ =	sdelay $0x4  }
0xf4: {  	v2 =	vadd.f32 v2, v3;
	_ =	sdelay $0x1  }
0xf5: {  	v2 =	vadd.f32 v2, v1;
	_ =	sdelay $0x1  }
0xf6: {  	v2 =	vsub.f32 $0.0e+00, v2;
	_ =	sdelay $0x1  }
0xf7: {  	v2 =	vmul.f32 $1.442695020e+00, v2;
	_ =	sdelay $0x1  }
0xf8: {  	(erf) = vpow2.f32 v2;
	_ =	sdelay $0x8  }
0xf9: {  	v2 =	vpop (erf)  }
0xfa: {  	v2 =	vadd.f32 $1.000000000e+00, v2;
	_ =	sdelay $0x1  }
0xfb: {  	(erf) = vrcp.f32 v2;
	_ =	sdelay $0x8  }
0xfc: {  	s0 =	sadd.s32 $0x10, s31;
	v2 =	vpop (erf)  }
0xfd: {  	[tilespmem:s0+$0x0] =	vst v2  }
0xfe: {  	_ =	swait.ge [sflag:s22], $0x4000  }
0xff: {  	[sflag:s22] =	ssyncset.done $0x0  }
0x100: {  	[sflag:s22] =	ssyncadd.s32 $0xFFFFC000  }
0x101: {  	_ =	swait.ge [sflag:s23], $0x4000  }
0x102: {  	[sflag:s23] =	ssyncset.done $0x0  }
0x103: {  	s11 =	simm.s32 $0x180;
	[sflag:s23] =	ssyncadd.s32 $0xFFFFC000  }
0x104: {  	s2 =	simm.s32 $0x380;
	v2 =	vld [tilespmem:s11+$0x0]  }
0x105: {  	v3 =	vld [tilespmem:s2+$0x0]  }
0x106: {  	s12 =	simm.s32 $0x0  }
0x107: {  	v4 =	vmov s12  }
0x108: {  	v4 =	vshll.u32 v4, $0x7  }
0x109: {  	v4 =	vor.u32 v0, v4;
	v2 =	vand.u32 $0x7F, v2  }
0x10a: {  	v3 =	vand.u32 $0x7F, v3;
	v2 =	vor.u32 v4, v2  }
0x10b: {  	v3 =	vor.u32 v4, v3;
	_ =	sdelay $0x3  }
0x10c: {  	v2 =	vld.idx.msk [tilespmem:v2+s19+$0x0], $0xffff  }
0x10d: {  	v3 =	vld.idx.msk [tilespmem:v3+s21+$0x0], $0xffff;
	_ =	sdelay $0x4  }
0x10e: {  	v2 =	vadd.f32 v3, v2;
	_ =	sdelay $0x1  }
0x10f: {  	v2 =	vadd.f32 v2, v1;
	_ =	sdelay $0x1  }
0x110: {  	v2 =	vsub.f32 $0.0e+00, v2;
	_ =	sdelay $0x1  }
0x111: {  	v2 =	vmul.f32 $1.442695020e+00, v2;
	_ =	sdelay $0x1  }
0x112: {  	(erf) = vpow2.f32 v2;
	_ =	sdelay $0x8  }
0x113: {  	v2 =	vpop (erf)  }
0x114: {  	v2 =	vadd.f32 $1.000000000e+00, v2;
	_ =	sdelay $0x1  }
0x115: {  	(erf) = vrcp.f32 v2;
	_ =	sdelay $0x8  }
0x116: {  	s31 =	simm.s32 $0x10980;
	v2 =	vpop (erf)  }
0x117: {  	s0 =	simm.s32 $0x190;
	[tilespmem:s31+$0x0] =	vst v2  }
0x118: {  	s2 =	simm.s32 $0x390;
	v3 =	vld [tilespmem:s0+$0x0]  }
0x119: {  	s12 =	simm.s32 $0x20;
	s11 =	simm.s32 $0x10;
	v2 =	vld [tilespmem:s2+$0x0]  }
.LBB2_10:
0x11a: {  	p0 =	sne.s32 s12, $0x70  }
0x11b: {  	v4 =	vmov s11;
	s11 =	smov.u32 s12  }
0x11c: {  	v4 =	vshll.u32 v4, $0x7  }
0x11d: {  	v4 =	vor.u32 v0, v4;
	v3 =	vand.u32 $0x7F, v3  }
0x11e: {  	v3 =	vor.u32 v4, v3;
	v2 =	vand.u32 $0x7F, v2  }
0x11f: {  	v2 =	vor.u32 v4, v2;
	_ =	sdelay $0x3  }
0x120: {  	v3 =	vld.idx.msk [tilespmem:v3+s19+$0x0], $0xffff  }
0x121: {  	v2 =	vld.idx.msk [tilespmem:v2+s21+$0x0], $0xffff;
	_ =	sdelay $0x5  }
0x122: {  	v2 =	vadd.f32 v2, v3;
	_ =	sdelay $0x1  }
0x123: {  	v2 =	vadd.f32 v2, v1;
	_ =	sdelay $0x1  }
0x124: {  	v2 =	vsub.f32 $0.0e+00, v2;
	_ =	sdelay $0x1  }
0x125: {  	v2 =	vmul.f32 $1.442695020e+00, v2;
	_ =	sdelay $0x1  }
0x126: {  	(erf) = vpow2.f32 v2;
	_ =	sdelay $0x8  }
0x127: {  	v2 =	vpop (erf)  }
0x128: {  	v2 =	vadd.f32 $1.000000000e+00, v2;
	_ =	sdelay $0x1  }
0x129: {  	(erf) = vrcp.f32 v2;
	_ =	sdelay $0x7  }
.Ltmp4:
0x12a: {  	(pc) =	sbr.rel @p0 .LBB2_10-.Ltmp4, $4  }
0x12b: {  	s31 =	sadd.s32 $0x10, s31;
	v2 =	vpop (erf)  }
0x12c: {  	s0 =	sadd.s32 $0x10, s0;
	[tilespmem:s31+$0x0] =	vst v2  }
0x12d: {  	s2 =	sadd.s32 $0x10, s2;
	v3 =	vld [tilespmem:s0+$0x0]  }
0x12e: {  	s12 =	sadd.s32 $0x10, s12;
	v2 =	vld [tilespmem:s2+$0x0]  }
0x12f: {  	_ = 	snop  }
0x130: {  	v4 =	vmov s11  }
0x131: {  	v4 =	vshll.u32 v4, $0x7  }
0x132: {  	v4 =	vor.u32 v0, v4;
	v3 =	vand.u32 $0x7F, v3  }
0x133: {  	v3 =	vor.u32 v4, v3;
	v2 =	vand.u32 $0x7F, v2  }
0x134: {  	v2 =	vor.u32 v4, v2;
	_ =	sdelay $0x3  }
0x135: {  	v3 =	vld.idx.msk [tilespmem:v3+s19+$0x0], $0xffff  }
0x136: {  	v2 =	vld.idx.msk [tilespmem:v2+s21+$0x0], $0xffff;
	_ =	sdelay $0x4  }
0x137: {  	v2 =	vadd.f32 v2, v3;
	_ =	sdelay $0x1  }
0x138: {  	v1 =	vadd.f32 v2, v1;
	_ =	sdelay $0x1  }
0x139: {  	v1 =	vsub.f32 $0.0e+00, v1;
	_ =	sdelay $0x1  }
0x13a: {  	v1 =	vmul.f32 $1.442695020e+00, v1;
	_ =	sdelay $0x1  }
0x13b: {  	(erf) = vpow2.f32 v1;
	_ =	sdelay $0x8  }
0x13c: {  	v1 =	vpop (erf)  }
0x13d: {  	v1 =	vadd.f32 $1.000000000e+00, v1;
	_ =	sdelay $0x1  }
0x13e: {  	(erf) = vrcp.f32 v1;
	_ =	sdelay $0x7  }
0x13f: {  	s30 =	sadd.s32 $0x1, s30  }
0x140: {  	s0 =	sadd.s32 $0x10, s31;
	p0 =	sne.s32 s30, s9;
	v1 =	vpop (erf)  }
.Ltmp5:
0x141: {  	[tilespmem:s0+$0x0] =	vst v1;
	(pc) =	sbr.rel @p0 .LBB2_1-.Ltmp5, $4  }
0x142: {  	[hbm4b:s8+s1] =	stream.linear.scatter [tilespmem:s29], [sflag:$0x3], $0x200, $0x38;
	[tilespmem:$0x10A80] =	vst v63  }
0x143: {  	_ =	swait.ge [sflag:s10], $0x200  }
0x144: {  	[sflag:s10] =	ssyncset.done $0x0  }
0x145: {  	[sflag:s10] =	ssyncadd.s32 $0xFFFFFE00  }
0x146: {  	_ =	sfence.sel $0x180000  }
0x147: {  	[bflag:$0x0] =	sbarrier.arrive $0xFFFF  }
0x148: {  	_ =	strace $0x90000047  }
0x149: {  	s0 =	stileid.u32;
	[bflag:$0x2] =	sbarrier.arrive $0xFFFF  }
0x14a: {  	p0 =	sne.s32 s0, $0x0;
	s0 =	rddreg [dreg:$0x4]  }
0x14b: {  	s0 =	sadd.s32 @!p0 $0x100000, s0  }
0x14c: {  	[sflag:s0] =	ssyncadd.tile.s32 @!p0 $0x1;
	_ =	shalt  }
.Lfunc_end2:
_tile_overlayer_lowered:
.L_overlay_start_2:
0x14d: {  	(tag) =	ssettag $0x2  }
0x14e: {  	s0 =	rddreg [dreg:$0x0];
	s2 =	stileid.u32  }
0x14f: {  	s1 =	rddreg [dreg:$0x1];
	p0 =	sne.s32 s2, $0x0  }
0x150: {  	s3 =	rddreg [dreg:$0x2];
	[bflag:$0x3] =	sbarrier.arrive $0xFFFF;
	s2 =	simm.s32 @!p0 $0x1C03  }
0x151: {  	[timem:s3], [sflag:s2] =	dma.local @!p0 [hbm:s0], s1  }
0x152: {  	s0 =	simm.s32 @!p0 $0x3  }
0x153: {  	_ =	swait.ge @!p0 [sflag:s0], s1  }
0x154: {  	s1 =	ssub.s32 @!p0 $0x0, s1;
	[sflag:s0] =	ssyncset.done @!p0 $0x0  }
0x155: {  	[sflag:s0] =	ssyncadd.s32 @!p0 s1  }
0x156: {  	[bflag:$0x3] =	sbarrier.arrive $0xFFFF  }
0x157: {  	_ =	shalt  }

</sc_bundles>
